<compile_context>
chip_gen: v7x
topology: tpu7x:2x2x1
jax: 0.10.2.dev20260603
libtpu: 0.0.44.dev20260713+nightly
codegen_flags: <defaults>
</compile_context>

<pallas_src>
import functools

import jax
import jax.numpy as jnp
from jax import lax
from jax.experimental import pallas as pl
from jax.experimental.pallas import tpu as pltpu
from jax.experimental.pallas import tpu_sc as plsc

N = 10000
E = 320000
IN_CH = 128
K = 1024
DA = 128
NPAD = 10112
EPAD = 327680
EROWS = EPAD // 128
NW = 32
CHUNKS = 10
ROWS_PER_TILE = NPAD // 16

_mesh = plsc.VectorSubcoreMesh(core_axis_name="c", subcore_axis_name="s")


@functools.partial(
    pl.kernel,
    out_type=jax.ShapeDtypeStruct((2, NPAD, 16), jnp.float32),
    mesh=_mesh,
    scratch_types=[
        pltpu.VMEM_SHARED((128, 128), jnp.int32),
        pltpu.VMEM((128,), jnp.int32),
        pltpu.VMEM((128, 16), jnp.float32),
        pltpu.VMEM_SHARED((NPAD, 16), jnp.float32),
    ],
)
def _deg_kernel(er_hbm, ones_hbm, zeros_hbm, out_hbm, idx_sh, idx1_v, ones_v,
                acc_sh):
    c = lax.axis_index("c")
    s = lax.axis_index("s")
    r0 = s * ROWS_PER_TILE
    pltpu.sync_copy(zeros_hbm.at[pl.ds(r0, ROWS_PER_TILE)],
                    acc_sh.at[pl.ds(r0, ROWS_PER_TILE)])
    pltpu.sync_copy(ones_hbm, ones_v)
    plsc.subcore_barrier()
    row_base = c * (EROWS // 2) + s * CHUNKS * 8

    def body(k, carry):
        pltpu.sync_copy(er_hbm.at[pl.ds(row_base + k * 8, 8)],
                        idx_sh.at[pl.ds(s * 8, 8)])
        for j in range(8):
            pltpu.sync_copy(idx_sh.at[s * 8 + j], idx1_v)
            pltpu.sync_copy(ones_v, acc_sh.at[idx1_v], add=True)
        return carry

    lax.fori_loop(0, CHUNKS, body, 0)
    plsc.subcore_barrier()
    pltpu.sync_copy(acc_sh.at[pl.ds(r0, ROWS_PER_TILE)],
                    out_hbm.at[c, pl.ds(r0, ROWS_PER_TILE)])


@functools.partial(
    pl.kernel,
    out_type=jax.ShapeDtypeStruct((2, NPAD, DA), jnp.float32),
    mesh=_mesh,
    scratch_types=[
        pltpu.VMEM((8, 128), jnp.int32),
        pltpu.VMEM_SHARED((128, 128), jnp.int32),
        pltpu.VMEM((128,), jnp.int32),
        pltpu.VMEM((128, DA), jnp.float32),
        pltpu.VMEM_SHARED((NPAD, DA), jnp.float32),
    ],
)
def _edge_kernel(xs_hbm, er_hbm, ec_hbm, zeros_hbm, out_hbm,
                 ir_v, ic_sh, ic1_v, rows_v, acc_sh):
    c = lax.axis_index("c")
    s = lax.axis_index("s")
    r0 = s * ROWS_PER_TILE
    pltpu.sync_copy(zeros_hbm.at[pl.ds(r0, ROWS_PER_TILE)],
                    acc_sh.at[pl.ds(r0, ROWS_PER_TILE)])
    plsc.subcore_barrier()
    row_base = c * (EROWS // 2) + s * CHUNKS * 8

    def body(k, carry):
        pltpu.sync_copy(er_hbm.at[pl.ds(row_base + k * 8, 8)], ir_v)
        pltpu.sync_copy(ec_hbm.at[pl.ds(row_base + k * 8, 8)],
                        ic_sh.at[pl.ds(s * 8, 8)])
        for j in range(8):
            pltpu.sync_copy(ic_sh.at[s * 8 + j], ic1_v)
            pltpu.sync_copy(xs_hbm.at[ir_v.at[j]], rows_v)
            pltpu.sync_copy(rows_v, acc_sh.at[ic1_v], add=True)
        return carry

    lax.fori_loop(0, CHUNKS, body, 0)
    plsc.subcore_barrier()
    pltpu.sync_copy(acc_sh.at[pl.ds(r0, ROWS_PER_TILE)],
                    out_hbm.at[c, pl.ds(r0, ROWS_PER_TILE)])


def _prep_body(x_ref, degp_ref, o_ref):
    deg16 = degp_ref[0] + degp_ref[1] + 1.0
    dis16 = lax.rsqrt(deg16)
    rid = lax.broadcasted_iota(jnp.int32, (NPAD, 1), 0)
    dis = jnp.where(rid < N, dis16[:, 0:1], 0.0)
    o_ref[...] = x_ref[...] * dis


def _prep(x_pad, degp):
    return pl.pallas_call(
        _prep_body,
        out_shape=jax.ShapeDtypeStruct((NPAD, DA), jnp.float32),
    )(x_pad, degp)


_RBLK = 1000


def _finish_body(acc_ref, x_ref, degp_ref, we_ref, be_ref, wa_ref, ba_ref,
                 o_ref):
    i = pl.program_id(0)
    deg = degp_ref[0, :, 0:1] + degp_ref[1, :, 0:1] + 1.0
    dis = lax.rsqrt(deg)
    inv = 1.0 / deg
    acc2 = acc_ref[0] + acc_ref[1]
    y = dis * acc2 + x_ref[...] * inv
    z = lax.dot_general(y, we_ref[...], (((1,), (1,)), ((), ())),
                        preferred_element_type=jnp.float32) + be_ref[...]
    l = lax.dot_general(y, wa_ref[...], (((1,), (1,)), ((), ())),
                        preferred_element_type=jnp.float32) + ba_ref[...]
    m = jnp.max(l, axis=1, keepdims=True)
    e = jnp.exp(l - m)
    s = e / jnp.sum(e, axis=1, keepdims=True)
    contrib = lax.dot_general(s, z, (((0,), (0,)), ((), ())),
                              preferred_element_type=jnp.float32)

    @pl.when(i == 0)
    def _():
        o_ref[...] = contrib

    @pl.when(i > 0)
    def _():
        o_ref[...] += contrib


def _finish(acc, x_pad, degp, we, be2, wa, ba2):
    grid = (N // _RBLK,)
    return pl.pallas_call(
        _finish_body,
        grid=grid,
        in_specs=[
            pl.BlockSpec((2, _RBLK, DA), lambda i: (0, i, 0)),
            pl.BlockSpec((_RBLK, IN_CH), lambda i: (i, 0)),
            pl.BlockSpec((2, _RBLK, 16), lambda i: (0, i, 0)),
            pl.BlockSpec((IN_CH, IN_CH), lambda i: (0, 0)),
            pl.BlockSpec((1, IN_CH), lambda i: (0, 0)),
            pl.BlockSpec((K, IN_CH), lambda i: (0, 0)),
            pl.BlockSpec((1, K), lambda i: (0, 0)),
        ],
        out_specs=pl.BlockSpec((K, IN_CH), lambda i: (0, 0)),
        out_shape=jax.ShapeDtypeStruct((K, IN_CH), jnp.float32),
    )(acc, x_pad, degp, we, be2, wa, ba2)


def kernel(x, edge_index, W_embed, b_embed, W_assign, b_assign):
    ei = edge_index.astype(jnp.int32)
    pad_ids = N + (jnp.arange(EPAD - E, dtype=jnp.int32) % 16)
    er = jnp.concatenate([ei[0], pad_ids]).reshape(EROWS, 128)
    ec = jnp.concatenate([ei[1], pad_ids]).reshape(EROWS, 128)

    ones16 = jnp.ones((128, 16), jnp.float32)
    zeros16 = jnp.zeros((NPAD, 16), jnp.float32)
    zerosDA = jnp.zeros((NPAD, DA), jnp.float32)
    x_pad = jnp.concatenate([x, jnp.zeros((NPAD - N, IN_CH), x.dtype)], axis=0)

    degp = _deg_kernel(er, ones16, zeros16)
    xs = _prep(x_pad, degp)
    acc = _edge_kernel(xs, er, ec, zerosDA)
    next_x = _finish(acc, x_pad, degp,
                     W_embed, b_embed.reshape(1, IN_CH),
                     W_assign, b_assign.reshape(1, K))

    rows = lax.broadcasted_iota(jnp.int32, (K, K), 0).reshape(-1)
    cols = lax.broadcasted_iota(jnp.int32, (K, K), 1).reshape(-1)
    next_edge_index = jnp.stack([rows, cols], axis=0).astype(jnp.int64)
    return (next_x, next_edge_index)

# --- scband reference (transcript-rebuilt; emitter-appended) ---
"""Pipeline reference for scband-diff-pool-65420941852759 (READ-ONLY COPY).

The authoritative reference and input builder live on the scoring server;
editing this copy changes nothing except your own understanding.
"""

import jax, jax.numpy as jnp
import numpy as np

N_NODES = 10000
N_EDGES = 320000
IN_CH = 128
NEXT_N = 1024
OUT_CH = 128


def gcn_conv(x, edge_index, W, b):
    N = x.shape[0]
    # add self loops
    loops = jnp.arange(N, dtype=edge_index.dtype)
    ei = jnp.concatenate([edge_index, jnp.stack([loops, loops], axis=0)], axis=1)
    # linear (torch Linear: x @ W.T + b, W is [out, in])
    x = x @ W.T + b
    row, col = ei[0], ei[1]
    edge_weight = jnp.ones((ei.shape[1],), dtype=x.dtype)
    # deg = scatter_add(edge_weight, row, dim_size=N)
    deg = jnp.zeros((N,), dtype=x.dtype).at[row].add(edge_weight)
    deg_inv_sqrt = jnp.where(deg > 0, deg ** -0.5, 0.0)
    norm = deg_inv_sqrt[row] * edge_weight * deg_inv_sqrt[col]
    # propagate with aggr='add': message = norm * x_j (x_j = x[source=row]), scatter-add at target=col
    msgs = norm[:, None] * x[row]
    out = jax.ops.segment_sum(msgs, col, num_segments=N)
    return out


def setup_inputs(seed: int = 0) -> dict:
    key = jax.random.key(seed)
    k1, k2, k3, k4, k5, k6 = jax.random.split(key, 6)
    x = jax.random.normal(k1, (N_NODES, IN_CH), dtype=jnp.float32)
    edge_index = jax.random.randint(k2, (2, N_EDGES), 0, N_NODES, dtype=jnp.int64)
    # embed GCNConv params (torch Linear layout [out, in])
    W_embed = jax.random.normal(k3, (OUT_CH, IN_CH), dtype=jnp.float32) * (1.0 / np.sqrt(IN_CH))
    b_embed = jnp.zeros((OUT_CH,), dtype=jnp.float32)
    # assign_mat GCNConv params
    W_assign = jax.random.normal(k4, (NEXT_N, IN_CH), dtype=jnp.float32) * (1.0 / np.sqrt(IN_CH))
    b_assign = jnp.zeros((NEXT_N,), dtype=jnp.float32)
    return {"x": x, "edge_index": edge_index, "W_embed": W_embed, "b_embed": b_embed,
            "W_assign": W_assign, "b_assign": b_assign}


def reference(x, edge_index, W_embed, b_embed, W_assign, b_assign):
    N = x.shape[0]
    Z = gcn_conv(x, edge_index, W_embed, b_embed)
    S = jax.nn.softmax(gcn_conv(x, edge_index, W_assign, b_assign), axis=-1)
    # to_dense_adj -> [1, N, N]
    A = jnp.zeros((1, N, N), dtype=x.dtype).at[0, edge_index[0], edge_index[1]].add(1.0)
    next_X = S.T @ Z
    next_A = jnp.matmul(jnp.matmul(S.T, A), S)  # [1, K, K]
    next_A = jnp.reshape(next_A, (next_A.shape[1], next_A.shape[2]))
    # adj_to_edge_index: coordinates where A[i][j] > 0
    # S is strictly positive (softmax) and A has positive entries, so every
    # entry of next_A is > 0; the nonzero count is statically K*K.
    K = next_A.shape[0]
    rows, cols = jnp.nonzero(next_A > 0, size=K * next_A.shape[1])
    next_edge_index = jnp.stack([rows, cols], axis=0).astype(jnp.int64)
    return (next_X, next_edge_index)


if False:  # reference __main__ guard neutralized (emitter)
    inp = setup_inputs()
    out = reference(**inp)
    print(out[0].shape, out[1].shape)

if __name__ == "__main__":
    import jax
    _d = setup_inputs()
    print(jax.jit(kernel)(*tuple(_d.values())))

</pallas_src>

<mosaic_0001>
#map = affine_map<(d0, d1) -> (0, 0)>
#map1 = affine_map<(d0, d1) -> (0, 0, 0)>
module attributes {stable_mosaic.version = 14 : i64} {
  func.func @_deg_kernel(%arg0: i32, %arg1: i32, %arg2: memref<2560x128xi32, #tpu.memory_space<hbm>>, %arg3: memref<128x16xf32, #tpu.memory_space<hbm>>, %arg4: memref<10112x16xf32, #tpu.memory_space<hbm>>, %arg5: memref<2x10112x16xf32, #tpu.memory_space<hbm>>, %arg6: memref<128x128xi32, #tpu.memory_space<vmem_shared>>, %arg7: memref<128xi32, #tpu.memory_space<vmem>>, %arg8: memref<128x16xf32, #tpu.memory_space<vmem>>, %arg9: memref<10112x16xf32, #tpu.memory_space<vmem_shared>>) attributes {dimension_semantics = [#tpu.dimension_semantics<core_parallel>, #tpu.dimension_semantics<subcore_parallel>], iteration_bounds = array<i64: 2, 16>, scalar_prefetch = 0 : i64, scratch_operands = 4 : i64, tpu.core_type = #tpu.core_type<sc_vector_subcore>, window_params = [{transform_indices = #map}, {transform_indices = #map}, {transform_indices = #map}, {transform_indices = #map1}]} {
    %mul3A = arith.constant 632 : i32
    %mul3A_0 = arith.muli %arg1, %mul3A : i32
    "tpu.region"() ({
      %run_scoped3A = tpu.sem_alloc : memref<!tpu.dma_semaphore, #tpu.memory_space<semaphore_mem>>
      %dma_start3A = arith.constant 0 : i32
      %dma_start3A_13 = tpu.memref_slice %arg9[%mul3A_0, %dma_start3A] : memref<10112x16xf32, #tpu.memory_space<vmem_shared>> -> memref<632x16xf32, #tpu.memory_space<vmem_shared>>
      %dma_start3A_14 = arith.constant 0 : i32
      %dma_start3A_15 = tpu.memref_slice %arg4[%mul3A_0, %dma_start3A_14] : memref<10112x16xf32, #tpu.memory_space<hbm>> -> memref<632x16xf32, #tpu.memory_space<hbm>>
      tpu.enqueue_dma source(%dma_start3A_15 : memref<632x16xf32, #tpu.memory_space<hbm>>) target(%dma_start3A_13 : memref<632x16xf32, #tpu.memory_space<vmem_shared>>) target_semaphore(%run_scoped3A : memref<!tpu.dma_semaphore, #tpu.memory_space<semaphore_mem>>)
      %dma_wait3A = arith.constant 0 : i32
      %dma_wait3A_16 = tpu.memref_slice %arg9[%mul3A_0, %dma_wait3A] : memref<10112x16xf32, #tpu.memory_space<vmem_shared>> -> memref<632x16xf32, #tpu.memory_space<vmem_shared>>
      %dma_wait3A_17 = arith.constant 0 : i32
      %dma_wait3A_18 = tpu.memref_slice %arg4[%mul3A_0, %dma_wait3A_17] : memref<10112x16xf32, #tpu.memory_space<hbm>> -> memref<632x16xf32, #tpu.memory_space<hbm>>
      tpu.wait_dma2 semaphore(%run_scoped3A : memref<!tpu.dma_semaphore, #tpu.memory_space<semaphore_mem>>) src(%dma_wait3A_18 : memref<632x16xf32, #tpu.memory_space<hbm>>) dst(%dma_wait3A_16 : memref<632x16xf32, #tpu.memory_space<vmem_shared>>)
      tpu.yield
    }) : () -> ()
    "tpu.region"() ({
      %run_scoped3A = tpu.sem_alloc : memref<!tpu.dma_semaphore, #tpu.memory_space<semaphore_mem>>
      tpu.enqueue_dma source(%arg3 : memref<128x16xf32, #tpu.memory_space<hbm>>) target(%arg8 : memref<128x16xf32, #tpu.memory_space<vmem>>) target_semaphore(%run_scoped3A : memref<!tpu.dma_semaphore, #tpu.memory_space<semaphore_mem>>)
      tpu.wait_dma2 semaphore(%run_scoped3A : memref<!tpu.dma_semaphore, #tpu.memory_space<semaphore_mem>>) src(%arg3 : memref<128x16xf32, #tpu.memory_space<hbm>>) dst(%arg8 : memref<128x16xf32, #tpu.memory_space<vmem>>)
      tpu.yield
    }) : () -> ()
    %barrier3A = arith.constant 0 : index
    tpu.barrier barrier_id(%barrier3A)
    %mul3A_1 = arith.constant 1280 : i32
    %mul3A_2 = arith.muli %arg0, %mul3A_1 : i32
    %mul3A_3 = arith.constant 10 : i32
    %mul3A_4 = arith.muli %arg1, %mul3A_3 : i32
    %mul3A_5 = arith.constant 8 : i32
    %mul3A_6 = arith.muli %mul3A_4, %mul3A_5 : i32
    %add3A = arith.addi %mul3A_2, %mul3A_6 : i32
    %scan3A = arith.constant 0 : i32
    %scan3A_7 = arith.constant 0 : i32
    %scan3A_8 = arith.constant 10 : i32
    %scan3A_9 = arith.addi %scan3A_7, %scan3A_8 : i32
    %scan3A_10 = arith.constant 1 : i32
    scf.for %scan3A_13 = %scan3A_7 to %scan3A_9 step %scan3A_10  : i32 {
      %mul3A_14 = arith.constant 8 : i32
      %mul3A_15 = arith.muli %scan3A_13, %mul3A_14 : i32
      %add3A_16 = arith.addi %add3A, %mul3A_15 : i32
      %mul3A_17 = arith.constant 8 : i32
      %mul3A_18 = arith.muli %arg1, %mul3A_17 : i32
      "tpu.region"() ({
        %run_scoped3A = tpu.sem_alloc : memref<!tpu.dma_semaphore, #tpu.memory_space<semaphore_mem>>
        %dma_start3A = arith.constant 0 : i32
        %dma_start3A_51 = tpu.memref_slice %arg6[%mul3A_18, %dma_start3A] : memref<128x128xi32, #tpu.memory_space<vmem_shared>> -> memref<8x128xi32, #tpu.memory_space<vmem_shared>>
        %dma_start3A_52 = arith.constant 0 : i32
        %dma_start3A_53 = tpu.memref_slice %arg2[%add3A_16, %dma_start3A_52] : memref<2560x128xi32, #tpu.memory_space<hbm>> -> memref<8x128xi32, #tpu.memory_space<hbm>>
        tpu.enqueue_dma source(%dma_start3A_53 : memref<8x128xi32, #tpu.memory_space<hbm>>) target(%dma_start3A_51 : memref<8x128xi32, #tpu.memory_space<vmem_shared>>) target_semaphore(%run_scoped3A : memref<!tpu.dma_semaphore, #tpu.memory_space<semaphore_mem>>)
        %dma_wait3A = arith.constant 0 : i32
        %dma_wait3A_54 = tpu.memref_slice %arg6[%mul3A_18, %dma_wait3A] : memref<128x128xi32, #tpu.memory_space<vmem_shared>> -> memref<8x128xi32, #tpu.memory_space<vmem_shared>>
        %dma_wait3A_55 = arith.constant 0 : i32
        %dma_wait3A_56 = tpu.memref_slice %arg2[%add3A_16, %dma_wait3A_55] : memref<2560x128xi32, #tpu.memory_space<hbm>> -> memref<8x128xi32, #tpu.memory_space<hbm>>
        tpu.wait_dma2 semaphore(%run_scoped3A : memref<!tpu.dma_semaphore, #tpu.memory_space<semaphore_mem>>) src(%dma_wait3A_56 : memref<8x128xi32, #tpu.memory_space<hbm>>) dst(%dma_wait3A_54 : memref<8x128xi32, #tpu.memory_space<vmem_shared>>)
        tpu.yield
      }) : () -> ()
      %mul3A_19 = arith.constant 8 : i32
      %mul3A_20 = arith.muli %arg1, %mul3A_19 : i32
      %add3A_21 = arith.constant 0 : i32
      %add3A_22 = arith.addi %mul3A_20, %add3A_21 : i32
      "tpu.region"() ({
        %run_scoped3A = tpu.sem_alloc : memref<!tpu.dma_semaphore, #tpu.memory_space<semaphore_mem>>
        %dma_start3A = arith.constant 0 : i32
        %dma_start3A_51 = tpu.memref_slice %arg6[%add3A_22, %dma_start3A] : memref<128x128xi32, #tpu.memory_space<vmem_shared>> -> memref<1x128xi32, #tpu.memory_space<vmem_shared>>
        %dma_start3A_52 = tpu.memref_squeeze %dma_start3A_51 : memref<1x128xi32, #tpu.memory_space<vmem_shared>> -> memref<128xi32, #tpu.memory_space<vmem_shared>>
        %dma_start3A_53 = arith.constant 0 : i32
        %dma_start3A_54 = tpu.memref_slice %arg6[%add3A_22, %dma_start3A_53] : memref<128x128xi32, #tpu.memory_space<vmem_shared>> -> memref<1x128xi32, #tpu.memory_space<vmem_shared>>
        %dma_start3A_55 = tpu.memref_squeeze %dma_start3A_54 : memref<1x128xi32, #tpu.memory_space<vmem_shared>> -> memref<128xi32, #tpu.memory_space<vmem_shared>>
        tpu.enqueue_dma source(%dma_start3A_55 : memref<128xi32, #tpu.memory_space<vmem_shared>>) target(%arg7 : memref<128xi32, #tpu.memory_space<vmem>>) target_semaphore(%run_scoped3A : memref<!tpu.dma_semaphore, #tpu.memory_space<semaphore_mem>>)
        %dma_wait3A = arith.constant 0 : i32
        %dma_wait3A_56 = tpu.memref_slice %arg6[%add3A_22, %dma_wait3A] : memref<128x128xi32, #tpu.memory_space<vmem_shared>> -> memref<1x128xi32, #tpu.memory_space<vmem_shared>>
        %dma_wait3A_57 = tpu.memref_squeeze %dma_wait3A_56 : memref<1x128xi32, #tpu.memory_space<vmem_shared>> -> memref<128xi32, #tpu.memory_space<vmem_shared>>
        %dma_wait3A_58 = arith.constant 0 : i32
        %dma_wait3A_59 = tpu.memref_slice %arg6[%add3A_22, %dma_wait3A_58] : memref<128x128xi32, #tpu.memory_space<vmem_shared>> -> memref<1x128xi32, #tpu.memory_space<vmem_shared>>
        %dma_wait3A_60 = tpu.memref_squeeze %dma_wait3A_59 : memref<1x128xi32, #tpu.memory_space<vmem_shared>> -> memref<128xi32, #tpu.memory_space<vmem_shared>>
        tpu.wait_dma2 semaphore(%run_scoped3A : memref<!tpu.dma_semaphore, #tpu.memory_space<semaphore_mem>>) src(%dma_wait3A_60 : memref<128xi32, #tpu.memory_space<vmem_shared>>) dst(%arg7 : memref<128xi32, #tpu.memory_space<vmem>>)
        tpu.yield
      }) : () -> ()
      "tpu.region"() ({
        %run_scoped3A = tpu.sem_alloc : memref<!tpu.dma_semaphore, #tpu.memory_space<semaphore_mem>>
        %dma_start3A = arith.constant 0 : i32
        %dma_start3A_51 = arith.constant 0 : i32
        %dma_start3A_52 = tpu.memref_slice %arg9[%dma_start3A, %dma_start3A_51] : memref<10112x16xf32, #tpu.memory_space<vmem_shared>> -> memref<10112x16xf32, #tpu.memory_space<vmem_shared>>
        tpu.enqueue_indirect_dma source(%arg8 : memref<128x16xf32, #tpu.memory_space<vmem>>) target(%dma_start3A_52 : memref<10112x16xf32, #tpu.memory_space<vmem_shared>>) offsets(%arg7 : memref<128xi32, #tpu.memory_space<vmem>>) semaphore(%run_scoped3A : memref<!tpu.dma_semaphore, #tpu.memory_space<semaphore_mem>>) {add = true}
        %dma_wait3A = arith.constant 0 : i32
        %dma_wait3A_53 = arith.constant 0 : i32
        %dma_wait3A_54 = tpu.memref_slice %arg9[%dma_wait3A, %dma_wait3A_53] : memref<10112x16xf32, #tpu.memory_space<vmem_shared>> -> memref<10112x16xf32, #tpu.memory_space<vmem_shared>>
        tpu.wait_indirect_dma semaphore(%run_scoped3A : memref<!tpu.dma_semaphore, #tpu.memory_space<semaphore_mem>>) src(%arg8 : memref<128x16xf32, #tpu.memory_space<vmem>>) dst(%dma_wait3A_54 : memref<10112x16xf32, #tpu.memory_space<vmem_shared>>)
        tpu.yield
      }) : () -> ()
      %mul3A_23 = arith.constant 8 : i32
      %mul3A_24 = arith.muli %arg1, %mul3A_23 : i32
      %add3A_25 = arith.constant 1 : i32
      %add3A_26 = arith.addi %mul3A_24, %add3A_25 : i32
      "tpu.region"() ({
        %run_scoped3A = tpu.sem_alloc : memref<!tpu.dma_semaphore, #tpu.memory_space<semaphore_mem>>
        %dma_start3A = arith.constant 0 : i32
        %dma_start3A_51 = tpu.memref_slice %arg6[%add3A_26, %dma_start3A] : memref<128x128xi32, #tpu.memory_space<vmem_shared>> -> memref<1x128xi32, #tpu.memory_space<vmem_shared>>
        %dma_start3A_52 = tpu.memref_squeeze %dma_start3A_51 : memref<1x128xi32, #tpu.memory_space<vmem_shared>> -> memref<128xi32, #tpu.memory_space<vmem_shared>>
        %dma_start3A_53 = arith.constant 0 : i32
        %dma_start3A_54 = tpu.memref_slice %arg6[%add3A_26, %dma_start3A_53] : memref<128x128xi32, #tpu.memory_space<vmem_shared>> -> memref<1x128xi32, #tpu.memory_space<vmem_shared>>
        %dma_start3A_55 = tpu.memref_squeeze %dma_start3A_54 : memref<1x128xi32, #tpu.memory_space<vmem_shared>> -> memref<128xi32, #tpu.memory_space<vmem_shared>>
        tpu.enqueue_dma source(%dma_start3A_55 : memref<128xi32, #tpu.memory_space<vmem_shared>>) target(%arg7 : memref<128xi32, #tpu.memory_space<vmem>>) target_semaphore(%run_scoped3A : memref<!tpu.dma_semaphore, #tpu.memory_space<semaphore_mem>>)
        %dma_wait3A = arith.constant 0 : i32
        %dma_wait3A_56 = tpu.memref_slice %arg6[%add3A_26, %dma_wait3A] : memref<128x128xi32, #tpu.memory_space<vmem_shared>> -> memref<1x128xi32, #tpu.memory_space<vmem_shared>>
        %dma_wait3A_57 = tpu.memref_squeeze %dma_wait3A_56 : memref<1x128xi32, #tpu.memory_space<vmem_shared>> -> memref<128xi32, #tpu.memory_space<vmem_shared>>
        %dma_wait3A_58 = arith.constant 0 : i32
        %dma_wait3A_59 = tpu.memref_slice %arg6[%add3A_26, %dma_wait3A_58] : memref<128x128xi32, #tpu.memory_space<vmem_shared>> -> memref<1x128xi32, #tpu.memory_space<vmem_shared>>
        %dma_wait3A_60 = tpu.memref_squeeze %dma_wait3A_59 : memref<1x128xi32, #tpu.memory_space<vmem_shared>> -> memref<128xi32, #tpu.memory_space<vmem_shared>>
        tpu.wait_dma2 semaphore(%run_scoped3A : memref<!tpu.dma_semaphore, #tpu.memory_space<semaphore_mem>>) src(%dma_wait3A_60 : memref<128xi32, #tpu.memory_space<vmem_shared>>) dst(%arg7 : memref<128xi32, #tpu.memory_space<vmem>>)
        tpu.yield
      }) : () -> ()
      "tpu.region"() ({
        %run_scoped3A = tpu.sem_alloc : memref<!tpu.dma_semaphore, #tpu.memory_space<semaphore_mem>>
        %dma_start3A = arith.constant 0 : i32
        %dma_start3A_51 = arith.constant 0 : i32
        %dma_start3A_52 = tpu.memref_slice %arg9[%dma_start3A, %dma_start3A_51] : memref<10112x16xf32, #tpu.memory_space<vmem_shared>> -> memref<10112x16xf32, #tpu.memory_space<vmem_shared>>
        tpu.enqueue_indirect_dma source(%arg8 : memref<128x16xf32, #tpu.memory_space<vmem>>) target(%dma_start3A_52 : memref<10112x16xf32, #tpu.memory_space<vmem_shared>>) offsets(%arg7 : memref<128xi32, #tpu.memory_space<vmem>>) semaphore(%run_scoped3A : memref<!tpu.dma_semaphore, #tpu.memory_space<semaphore_mem>>) {add = true}
        %dma_wait3A = arith.constant 0 : i32
        %dma_wait3A_53 = arith.constant 0 : i32
        %dma_wait3A_54 = tpu.memref_slice %arg9[%dma_wait3A, %dma_wait3A_53] : memref<10112x16xf32, #tpu.memory_space<vmem_shared>> -> memref<10112x16xf32, #tpu.memory_space<vmem_shared>>
        tpu.wait_indirect_dma semaphore(%run_scoped3A : memref<!tpu.dma_semaphore, #tpu.memory_space<semaphore_mem>>) src(%arg8 : memref<128x16xf32, #tpu.memory_space<vmem>>) dst(%dma_wait3A_54 : memref<10112x16xf32, #tpu.memory_space<vmem_shared>>)
        tpu.yield
      }) : () -> ()
      %mul3A_27 = arith.constant 8 : i32
      %mul3A_28 = arith.muli %arg1, %mul3A_27 : i32
      %add3A_29 = arith.constant 2 : i32
      %add3A_30 = arith.addi %mul3A_28, %add3A_29 : i32
      "tpu.region"() ({
        %run_scoped3A = tpu.sem_alloc : memref<!tpu.dma_semaphore, #tpu.memory_space<semaphore_mem>>
        %dma_start3A = arith.constant 0 : i32
        %dma_start3A_51 = tpu.memref_slice %arg6[%add3A_30, %dma_start3A] : memref<128x128xi32, #tpu.memory_space<vmem_shared>> -> memref<1x128xi32, #tpu.memory_space<vmem_shared>>
        %dma_start3A_52 = tpu.memref_squeeze %dma_start3A_51 : memref<1x128xi32, #tpu.memory_space<vmem_shared>> -> memref<128xi32, #tpu.memory_space<vmem_shared>>
        %dma_start3A_53 = arith.constant 0 : i32
        %dma_start3A_54 = tpu.memref_slice %arg6[%add3A_30, %dma_start3A_53] : memref<128x128xi32, #tpu.memory_space<vmem_shared>> -> memref<1x128xi32, #tpu.memory_space<vmem_shared>>
        %dma_start3A_55 = tpu.memref_squeeze %dma_start3A_54 : memref<1x128xi32, #tpu.memory_space<vmem_shared>> -> memref<128xi32, #tpu.memory_space<vmem_shared>>
        tpu.enqueue_dma source(%dma_start3A_55 : memref<128xi32, #tpu.memory_space<vmem_shared>>) target(%arg7 : memref<128xi32, #tpu.memory_space<vmem>>) target_semaphore(%run_scoped3A : memref<!tpu.dma_semaphore, #tpu.memory_space<semaphore_mem>>)
        %dma_wait3A = arith.constant 0 : i32
        %dma_wait3A_56 = tpu.memref_slice %arg6[%add3A_30, %dma_wait3A] : memref<128x128xi32, #tpu.memory_space<vmem_shared>> -> memref<1x128xi32, #tpu.memory_space<vmem_shared>>
        %dma_wait3A_57 = tpu.memref_squeeze %dma_wait3A_56 : memref<1x128xi32, #tpu.memory_space<vmem_shared>> -> memref<128xi32, #tpu.memory_space<vmem_shared>>
        %dma_wait3A_58 = arith.constant 0 : i32
        %dma_wait3A_59 = tpu.memref_slice %arg6[%add3A_30, %dma_wait3A_58] : memref<128x128xi32, #tpu.memory_space<vmem_shared>> -> memref<1x128xi32, #tpu.memory_space<vmem_shared>>
        %dma_wait3A_60 = tpu.memref_squeeze %dma_wait3A_59 : memref<1x128xi32, #tpu.memory_space<vmem_shared>> -> memref<128xi32, #tpu.memory_space<vmem_shared>>
        tpu.wait_dma2 semaphore(%run_scoped3A : memref<!tpu.dma_semaphore, #tpu.memory_space<semaphore_mem>>) src(%dma_wait3A_60 : memref<128xi32, #tpu.memory_space<vmem_shared>>) dst(%arg7 : memref<128xi32, #tpu.memory_space<vmem>>)
        tpu.yield
      }) : () -> ()
      "tpu.region"() ({
        %run_scoped3A = tpu.sem_alloc : memref<!tpu.dma_semaphore, #tpu.memory_space<semaphore_mem>>
        %dma_start3A = arith.constant 0 : i32
        %dma_start3A_51 = arith.constant 0 : i32
        %dma_start3A_52 = tpu.memref_slice %arg9[%dma_start3A, %dma_start3A_51] : memref<10112x16xf32, #tpu.memory_space<vmem_shared>> -> memref<10112x16xf32, #tpu.memory_space<vmem_shared>>
        tpu.enqueue_indirect_dma source(%arg8 : memref<128x16xf32, #tpu.memory_space<vmem>>) target(%dma_start3A_52 : memref<10112x16xf32, #tpu.memory_space<vmem_shared>>) offsets(%arg7 : memref<128xi32, #tpu.memory_space<vmem>>) semaphore(%run_scoped3A : memref<!tpu.dma_semaphore, #tpu.memory_space<semaphore_mem>>) {add = true}
        %dma_wait3A = arith.constant 0 : i32
        %dma_wait3A_53 = arith.constant 0 : i32
        %dma_wait3A_54 = tpu.memref_slice %arg9[%dma_wait3A, %dma_wait3A_53] : memref<10112x16xf32, #tpu.memory_space<vmem_shared>> -> memref<10112x16xf32, #tpu.memory_space<vmem_shared>>
        tpu.wait_indirect_dma semaphore(%run_scoped3A : memref<!tpu.dma_semaphore, #tpu.memory_space<semaphore_mem>>) src(%arg8 : memref<128x16xf32, #tpu.memory_space<vmem>>) dst(%dma_wait3A_54 : memref<10112x16xf32, #tpu.memory_space<vmem_shared>>)
        tpu.yield
      }) : () -> ()
      %mul3A_31 = arith.constant 8 : i32
      %mul3A_32 = arith.muli %arg1, %mul3A_31 : i32
      %add3A_33 = arith.constant 3 : i32
      %add3A_34 = arith.addi %mul3A_32, %add3A_33 : i32
      "tpu.region"() ({
        %run_scoped3A = tpu.sem_alloc : memref<!tpu.dma_semaphore, #tpu.memory_space<semaphore_mem>>
        %dma_start3A = arith.constant 0 : i32
        %dma_start3A_51 = tpu.memref_slice %arg6[%add3A_34, %dma_start3A] : memref<128x128xi32, #tpu.memory_space<vmem_shared>> -> memref<1x128xi32, #tpu.memory_space<vmem_shared>>
        %dma_start3A_52 = tpu.memref_squeeze %dma_start3A_51 : memref<1x128xi32, #tpu.memory_space<vmem_shared>> -> memref<128xi32, #tpu.memory_space<vmem_shared>>
        %dma_start3A_53 = arith.constant 0 : i32
        %dma_start3A_54 = tpu.memref_slice %arg6[%add3A_34, %dma_start3A_53] : memref<128x128xi32, #tpu.memory_space<vmem_shared>> -> memref<1x128xi32, #tpu.memory_space<vmem_shared>>
        %dma_start3A_55 = tpu.memref_squeeze %dma_start3A_54 : memref<1x128xi32, #tpu.memory_space<vmem_shared>> -> memref<128xi32, #tpu.memory_space<vmem_shared>>
        tpu.enqueue_dma source(%dma_start3A_55 : memref<128xi32, #tpu.memory_space<vmem_shared>>) target(%arg7 : memref<128xi32, #tpu.memory_space<vmem>>) target_semaphore(%run_scoped3A : memref<!tpu.dma_semaphore, #tpu.memory_space<semaphore_mem>>)
        %dma_wait3A = arith.constant 0 : i32
        %dma_wait3A_56 = tpu.memref_slice %arg6[%add3A_34, %dma_wait3A] : memref<128x128xi32, #tpu.memory_space<vmem_shared>> -> memref<1x128xi32, #tpu.memory_space<vmem_shared>>
        %dma_wait3A_57 = tpu.memref_squeeze %dma_wait3A_56 : memref<1x128xi32, #tpu.memory_space<vmem_shared>> -> memref<128xi32, #tpu.memory_space<vmem_shared>>
        %dma_wait3A_58 = arith.constant 0 : i32
        %dma_wait3A_59 = tpu.memref_slice %arg6[%add3A_34, %dma_wait3A_58] : memref<128x128xi32, #tpu.memory_space<vmem_shared>> -> memref<1x128xi32, #tpu.memory_space<vmem_shared>>
        %dma_wait3A_60 = tpu.memref_squeeze %dma_wait3A_59 : memref<1x128xi32, #tpu.memory_space<vmem_shared>> -> memref<128xi32, #tpu.memory_space<vmem_shared>>
        tpu.wait_dma2 semaphore(%run_scoped3A : memref<!tpu.dma_semaphore, #tpu.memory_space<semaphore_mem>>) src(%dma_wait3A_60 : memref<128xi32, #tpu.memory_space<vmem_shared>>) dst(%arg7 : memref<128xi32, #tpu.memory_space<vmem>>)
        tpu.yield
      }) : () -> ()
      "tpu.region"() ({
        %run_scoped3A = tpu.sem_alloc : memref<!tpu.dma_semaphore, #tpu.memory_space<semaphore_mem>>
        %dma_start3A = arith.constant 0 : i32
        %dma_start3A_51 = arith.constant 0 : i32
        %dma_start3A_52 = tpu.memref_slice %arg9[%dma_start3A, %dma_start3A_51] : memref<10112x16xf32, #tpu.memory_space<vmem_shared>> -> memref<10112x16xf32, #tpu.memory_space<vmem_shared>>
        tpu.enqueue_indirect_dma source(%arg8 : memref<128x16xf32, #tpu.memory_space<vmem>>) target(%dma_start3A_52 : memref<10112x16xf32, #tpu.memory_space<vmem_shared>>) offsets(%arg7 : memref<128xi32, #tpu.memory_space<vmem>>) semaphore(%run_scoped3A : memref<!tpu.dma_semaphore, #tpu.memory_space<semaphore_mem>>) {add = true}
        %dma_wait3A = arith.constant 0 : i32
        %dma_wait3A_53 = arith.constant 0 : i32
        %dma_wait3A_54 = tpu.memref_slice %arg9[%dma_wait3A, %dma_wait3A_53] : memref<10112x16xf32, #tpu.memory_space<vmem_shared>> -> memref<10112x16xf32, #tpu.memory_space<vmem_shared>>
        tpu.wait_indirect_dma semaphore(%run_scoped3A : memref<!tpu.dma_semaphore, #tpu.memory_space<semaphore_mem>>) src(%arg8 : memref<128x16xf32, #tpu.memory_space<vmem>>) dst(%dma_wait3A_54 : memref<10112x16xf32, #tpu.memory_space<vmem_shared>>)
        tpu.yield
      }) : () -> ()
      %mul3A_35 = arith.constant 8 : i32
      %mul3A_36 = arith.muli %arg1, %mul3A_35 : i32
      %add3A_37 = arith.constant 4 : i32
      %add3A_38 = arith.addi %mul3A_36, %add3A_37 : i32
      "tpu.region"() ({
        %run_scoped3A = tpu.sem_alloc : memref<!tpu.dma_semaphore, #tpu.memory_space<semaphore_mem>>
        %dma_start3A = arith.constant 0 : i32
        %dma_start3A_51 = tpu.memref_slice %arg6[%add3A_38, %dma_start3A] : memref<128x128xi32, #tpu.memory_space<vmem_shared>> -> memref<1x128xi32, #tpu.memory_space<vmem_shared>>
        %dma_start3A_52 = tpu.memref_squeeze %dma_start3A_51 : memref<1x128xi32, #tpu.memory_space<vmem_shared>> -> memref<128xi32, #tpu.memory_space<vmem_shared>>
        %dma_start3A_53 = arith.constant 0 : i32
        %dma_start3A_54 = tpu.memref_slice %arg6[%add3A_38, %dma_start3A_53] : memref<128x128xi32, #tpu.memory_space<vmem_shared>> -> memref<1x128xi32, #tpu.memory_space<vmem_shared>>
        %dma_start3A_55 = tpu.memref_squeeze %dma_start3A_54 : memref<1x128xi32, #tpu.memory_space<vmem_shared>> -> memref<128xi32, #tpu.memory_space<vmem_shared>>
        tpu.enqueue_dma source(%dma_start3A_55 : memref<128xi32, #tpu.memory_space<vmem_shared>>) target(%arg7 : memref<128xi32, #tpu.memory_space<vmem>>) target_semaphore(%run_scoped3A : memref<!tpu.dma_semaphore, #tpu.memory_space<semaphore_mem>>)
        %dma_wait3A = arith.constant 0 : i32
        %dma_wait3A_56 = tpu.memref_slice %arg6[%add3A_38, %dma_wait3A] : memref<128x128xi32, #tpu.memory_space<vmem_shared>> -> memref<1x128xi32, #tpu.memory_space<vmem_shared>>
        %dma_wait3A_57 = tpu.memref_squeeze %dma_wait3A_56 : memref<1x128xi32, #tpu.memory_space<vmem_shared>> -> memref<128xi32, #tpu.memory_space<vmem_shared>>
        %dma_wait3A_58 = arith.constant 0 : i32
        %dma_wait3A_59 = tpu.memref_slice %arg6[%add3A_38, %dma_wait3A_58] : memref<128x128xi32, #tpu.memory_space<vmem_shared>> -> memref<1x128xi32, #tpu.memory_space<vmem_shared>>
        %dma_wait3A_60 = tpu.memref_squeeze %dma_wait3A_59 : memref<1x128xi32, #tpu.memory_space<vmem_shared>> -> memref<128xi32, #tpu.memory_space<vmem_shared>>
        tpu.wait_dma2 semaphore(%run_scoped3A : memref<!tpu.dma_semaphore, #tpu.memory_space<semaphore_mem>>) src(%dma_wait3A_60 : memref<128xi32, #tpu.memory_space<vmem_shared>>) dst(%arg7 : memref<128xi32, #tpu.memory_space<vmem>>)
        tpu.yield
      }) : () -> ()
      "tpu.region"() ({
        %run_scoped3A = tpu.sem_alloc : memref<!tpu.dma_semaphore, #tpu.memory_space<semaphore_mem>>
        %dma_start3A = arith.constant 0 : i32
        %dma_start3A_51 = arith.constant 0 : i32
        %dma_start3A_52 = tpu.memref_slice %arg9[%dma_start3A, %dma_start3A_51] : memref<10112x16xf32, #tpu.memory_space<vmem_shared>> -> memref<10112x16xf32, #tpu.memory_space<vmem_shared>>
        tpu.enqueue_indirect_dma source(%arg8 : memref<128x16xf32, #tpu.memory_space<vmem>>) target(%dma_start3A_52 : memref<10112x16xf32, #tpu.memory_space<vmem_shared>>) offsets(%arg7 : memref<128xi32, #tpu.memory_space<vmem>>) semaphore(%run_scoped3A : memref<!tpu.dma_semaphore, #tpu.memory_space<semaphore_mem>>) {add = true}
        %dma_wait3A = arith.constant 0 : i32
        %dma_wait3A_53 = arith.constant 0 : i32
        %dma_wait3A_54 = tpu.memref_slice %arg9[%dma_wait3A, %dma_wait3A_53] : memref<10112x16xf32, #tpu.memory_space<vmem_shared>> -> memref<10112x16xf32, #tpu.memory_space<vmem_shared>>
        tpu.wait_indirect_dma semaphore(%run_scoped3A : memref<!tpu.dma_semaphore, #tpu.memory_space<semaphore_mem>>) src(%arg8 : memref<128x16xf32, #tpu.memory_space<vmem>>) dst(%dma_wait3A_54 : memref<10112x16xf32, #tpu.memory_space<vmem_shared>>)
        tpu.yield
      }) : () -> ()
      %mul3A_39 = arith.constant 8 : i32
      %mul3A_40 = arith.muli %arg1, %mul3A_39 : i32
      %add3A_41 = arith.constant 5 : i32
      %add3A_42 = arith.addi %mul3A_40, %add3A_41 : i32
      "tpu.region"() ({
        %run_scoped3A = tpu.sem_alloc : memref<!tpu.dma_semaphore, #tpu.memory_space<semaphore_mem>>
        %dma_start3A = arith.constant 0 : i32
        %dma_start3A_51 = tpu.memref_slice %arg6[%add3A_42, %dma_start3A] : memref<128x128xi32, #tpu.memory_space<vmem_shared>> -> memref<1x128xi32, #tpu.memory_space<vmem_shared>>
        %dma_start3A_52 = tpu.memref_squeeze %dma_start3A_51 : memref<1x128xi32, #tpu.memory_space<vmem_shared>> -> memref<128xi32, #tpu.memory_space<vmem_shared>>
        %dma_start3A_53 = arith.constant 0 : i32
        %dma_start3A_54 = tpu.memref_slice %arg6[%add3A_42, %dma_start3A_53] : memref<128x128xi32, #tpu.memory_space<vmem_shared>> -> memref<1x128xi32, #tpu.memory_space<vmem_shared>>
        %dma_start3A_55 = tpu.memref_squeeze %dma_start3A_54 : memref<1x128xi32, #tpu.memory_space<vmem_shared>> -> memref<128xi32, #tpu.memory_space<vmem_shared>>
        tpu.enqueue_dma source(%dma_start3A_55 : memref<128xi32, #tpu.memory_space<vmem_shared>>) target(%arg7 : memref<128xi32, #tpu.memory_space<vmem>>) target_semaphore(%run_scoped3A : memref<!tpu.dma_semaphore, #tpu.memory_space<semaphore_mem>>)
        %dma_wait3A = arith.constant 0 : i32
        %dma_wait3A_56 = tpu.memref_slice %arg6[%add3A_42, %dma_wait3A] : memref<128x128xi32, #tpu.memory_space<vmem_shared>> -> memref<1x128xi32, #tpu.memory_space<vmem_shared>>
        %dma_wait3A_57 = tpu.memref_squeeze %dma_wait3A_56 : memref<1x128xi32, #tpu.memory_space<vmem_shared>> -> memref<128xi32, #tpu.memory_space<vmem_shared>>
        %dma_wait3A_58 = arith.constant 0 : i32
        %dma_wait3A_59 = tpu.memref_slice %arg6[%add3A_42, %dma_wait3A_58] : memref<128x128xi32, #tpu.memory_space<vmem_shared>> -> memref<1x128xi32, #tpu.memory_space<vmem_shared>>
        %dma_wait3A_60 = tpu.memref_squeeze %dma_wait3A_59 : memref<1x128xi32, #tpu.memory_space<vmem_shared>> -> memref<128xi32, #tpu.memory_space<vmem_shared>>
        tpu.wait_dma2 semaphore(%run_scoped3A : memref<!tpu.dma_semaphore, #tpu.memory_space<semaphore_mem>>) src(%dma_wait3A_60 : memref<128xi32, #tpu.memory_space<vmem_shared>>) dst(%arg7 : memref<128xi32, #tpu.memory_space<vmem>>)
        tpu.yield
      }) : () -> ()
      "tpu.region"() ({
        %run_scoped3A = tpu.sem_alloc : memref<!tpu.dma_semaphore, #tpu.memory_space<semaphore_mem>>
        %dma_start3A = arith.constant 0 : i32
        %dma_start3A_51 = arith.constant 0 : i32
        %dma_start3A_52 = tpu.memref_slice %arg9[%dma_start3A, %dma_start3A_51] : memref<10112x16xf32, #tpu.memory_space<vmem_shared>> -> memref<10112x16xf32, #tpu.memory_space<vmem_shared>>
        tpu.enqueue_indirect_dma source(%arg8 : memref<128x16xf32, #tpu.memory_space<vmem>>) target(%dma_start3A_52 : memref<10112x16xf32, #tpu.memory_space<vmem_shared>>) offsets(%arg7 : memref<128xi32, #tpu.memory_space<vmem>>) semaphore(%run_scoped3A : memref<!tpu.dma_semaphore, #tpu.memory_space<semaphore_mem>>) {add = true}
        %dma_wait3A = arith.constant 0 : i32
        %dma_wait3A_53 = arith.constant 0 : i32
        %dma_wait3A_54 = tpu.memref_slice %arg9[%dma_wait3A, %dma_wait3A_53] : memref<10112x16xf32, #tpu.memory_space<vmem_shared>> -> memref<10112x16xf32, #tpu.memory_space<vmem_shared>>
        tpu.wait_indirect_dma semaphore(%run_scoped3A : memref<!tpu.dma_semaphore, #tpu.memory_space<semaphore_mem>>) src(%arg8 : memref<128x16xf32, #tpu.memory_space<vmem>>) dst(%dma_wait3A_54 : memref<10112x16xf32, #tpu.memory_space<vmem_shared>>)
        tpu.yield
      }) : () -> ()
      %mul3A_43 = arith.constant 8 : i32
      %mul3A_44 = arith.muli %arg1, %mul3A_43 : i32
      %add3A_45 = arith.constant 6 : i32
      %add3A_46 = arith.addi %mul3A_44, %add3A_45 : i32
      "tpu.region"() ({
        %run_scoped3A = tpu.sem_alloc : memref<!tpu.dma_semaphore, #tpu.memory_space<semaphore_mem>>
        %dma_start3A = arith.constant 0 : i32
        %dma_start3A_51 = tpu.memref_slice %arg6[%add3A_46, %dma_start3A] : memref<128x128xi32, #tpu.memory_space<vmem_shared>> -> memref<1x128xi32, #tpu.memory_space<vmem_shared>>
        %dma_start3A_52 = tpu.memref_squeeze %dma_start3A_51 : memref<1x128xi32, #tpu.memory_space<vmem_shared>> -> memref<128xi32, #tpu.memory_space<vmem_shared>>
        %dma_start3A_53 = arith.constant 0 : i32
        %dma_start3A_54 = tpu.memref_slice %arg6[%add3A_46, %dma_start3A_53] : memref<128x128xi32, #tpu.memory_space<vmem_shared>> -> memref<1x128xi32, #tpu.memory_space<vmem_shared>>
        %dma_start3A_55 = tpu.memref_squeeze %dma_start3A_54 : memref<1x128xi32, #tpu.memory_space<vmem_shared>> -> memref<128xi32, #tpu.memory_space<vmem_shared>>
        tpu.enqueue_dma source(%dma_start3A_55 : memref<128xi32, #tpu.memory_space<vmem_shared>>) target(%arg7 : memref<128xi32, #tpu.memory_space<vmem>>) target_semaphore(%run_scoped3A : memref<!tpu.dma_semaphore, #tpu.memory_space<semaphore_mem>>)
        %dma_wait3A = arith.constant 0 : i32
        %dma_wait3A_56 = tpu.memref_slice %arg6[%add3A_46, %dma_wait3A] : memref<128x128xi32, #tpu.memory_space<vmem_shared>> -> memref<1x128xi32, #tpu.memory_space<vmem_shared>>
        %dma_wait3A_57 = tpu.memref_squeeze %dma_wait3A_56 : memref<1x128xi32, #tpu.memory_space<vmem_shared>> -> memref<128xi32, #tpu.memory_space<vmem_shared>>
        %dma_wait3A_58 = arith.constant 0 : i32
        %dma_wait3A_59 = tpu.memref_slice %arg6[%add3A_46, %dma_wait3A_58] : memref<128x128xi32, #tpu.memory_space<vmem_shared>> -> memref<1x128xi32, #tpu.memory_space<vmem_shared>>
        %dma_wait3A_60 = tpu.memref_squeeze %dma_wait3A_59 : memref<1x128xi32, #tpu.memory_space<vmem_shared>> -> memref<128xi32, #tpu.memory_space<vmem_shared>>
        tpu.wait_dma2 semaphore(%run_scoped3A : memref<!tpu.dma_semaphore, #tpu.memory_space<semaphore_mem>>) src(%dma_wait3A_60 : memref<128xi32, #tpu.memory_space<vmem_shared>>) dst(%arg7 : memref<128xi32, #tpu.memory_space<vmem>>)
        tpu.yield
      }) : () -> ()
      "tpu.region"() ({
        %run_scoped3A = tpu.sem_alloc : memref<!tpu.dma_semaphore, #tpu.memory_space<semaphore_mem>>
        %dma_start3A = arith.constant 0 : i32
        %dma_start3A_51 = arith.constant 0 : i32
        %dma_start3A_52 = tpu.memref_slice %arg9[%dma_start3A, %dma_start3A_51] : memref<10112x16xf32, #tpu.memory_space<vmem_shared>> -> memref<10112x16xf32, #tpu.memory_space<vmem_shared>>
        tpu.enqueue_indirect_dma source(%arg8 : memref<128x16xf32, #tpu.memory_space<vmem>>) target(%dma_start3A_52 : memref<10112x16xf32, #tpu.memory_space<vmem_shared>>) offsets(%arg7 : memref<128xi32, #tpu.memory_space<vmem>>) semaphore(%run_scoped3A : memref<!tpu.dma_semaphore, #tpu.memory_space<semaphore_mem>>) {add = true}
        %dma_wait3A = arith.constant 0 : i32
        %dma_wait3A_53 = arith.constant 0 : i32
        %dma_wait3A_54 = tpu.memref_slice %arg9[%dma_wait3A, %dma_wait3A_53] : memref<10112x16xf32, #tpu.memory_space<vmem_shared>> -> memref<10112x16xf32, #tpu.memory_space<vmem_shared>>
        tpu.wait_indirect_dma semaphore(%run_scoped3A : memref<!tpu.dma_semaphore, #tpu.memory_space<semaphore_mem>>) src(%arg8 : memref<128x16xf32, #tpu.memory_space<vmem>>) dst(%dma_wait3A_54 : memref<10112x16xf32, #tpu.memory_space<vmem_shared>>)
        tpu.yield
      }) : () -> ()
      %mul3A_47 = arith.constant 8 : i32
      %mul3A_48 = arith.muli %arg1, %mul3A_47 : i32
      %add3A_49 = arith.constant 7 : i32
      %add3A_50 = arith.addi %mul3A_48, %add3A_49 : i32
      "tpu.region"() ({
        %run_scoped3A = tpu.sem_alloc : memref<!tpu.dma_semaphore, #tpu.memory_space<semaphore_mem>>
        %dma_start3A = arith.constant 0 : i32
        %dma_start3A_51 = tpu.memref_slice %arg6[%add3A_50, %dma_start3A] : memref<128x128xi32, #tpu.memory_space<vmem_shared>> -> memref<1x128xi32, #tpu.memory_space<vmem_shared>>
        %dma_start3A_52 = tpu.memref_squeeze %dma_start3A_51 : memref<1x128xi32, #tpu.memory_space<vmem_shared>> -> memref<128xi32, #tpu.memory_space<vmem_shared>>
        %dma_start3A_53 = arith.constant 0 : i32
        %dma_start3A_54 = tpu.memref_slice %arg6[%add3A_50, %dma_start3A_53] : memref<128x128xi32, #tpu.memory_space<vmem_shared>> -> memref<1x128xi32, #tpu.memory_space<vmem_shared>>
        %dma_start3A_55 = tpu.memref_squeeze %dma_start3A_54 : memref<1x128xi32, #tpu.memory_space<vmem_shared>> -> memref<128xi32, #tpu.memory_space<vmem_shared>>
        tpu.enqueue_dma source(%dma_start3A_55 : memref<128xi32, #tpu.memory_space<vmem_shared>>) target(%arg7 : memref<128xi32, #tpu.memory_space<vmem>>) target_semaphore(%run_scoped3A : memref<!tpu.dma_semaphore, #tpu.memory_space<semaphore_mem>>)
        %dma_wait3A = arith.constant 0 : i32
        %dma_wait3A_56 = tpu.memref_slice %arg6[%add3A_50, %dma_wait3A] : memref<128x128xi32, #tpu.memory_space<vmem_shared>> -> memref<1x128xi32, #tpu.memory_space<vmem_shared>>
        %dma_wait3A_57 = tpu.memref_squeeze %dma_wait3A_56 : memref<1x128xi32, #tpu.memory_space<vmem_shared>> -> memref<128xi32, #tpu.memory_space<vmem_shared>>
        %dma_wait3A_58 = arith.constant 0 : i32
        %dma_wait3A_59 = tpu.memref_slice %arg6[%add3A_50, %dma_wait3A_58] : memref<128x128xi32, #tpu.memory_space<vmem_shared>> -> memref<1x128xi32, #tpu.memory_space<vmem_shared>>
        %dma_wait3A_60 = tpu.memref_squeeze %dma_wait3A_59 : memref<1x128xi32, #tpu.memory_space<vmem_shared>> -> memref<128xi32, #tpu.memory_space<vmem_shared>>
        tpu.wait_dma2 semaphore(%run_scoped3A : memref<!tpu.dma_semaphore, #tpu.memory_space<semaphore_mem>>) src(%dma_wait3A_60 : memref<128xi32, #tpu.memory_space<vmem_shared>>) dst(%arg7 : memref<128xi32, #tpu.memory_space<vmem>>)
        tpu.yield
      }) : () -> ()
      "tpu.region"() ({
        %run_scoped3A = tpu.sem_alloc : memref<!tpu.dma_semaphore, #tpu.memory_space<semaphore_mem>>
        %dma_start3A = arith.constant 0 : i32
        %dma_start3A_51 = arith.constant 0 : i32
        %dma_start3A_52 = tpu.memref_slice %arg9[%dma_start3A, %dma_start3A_51] : memref<10112x16xf32, #tpu.memory_space<vmem_shared>> -> memref<10112x16xf32, #tpu.memory_space<vmem_shared>>
        tpu.enqueue_indirect_dma source(%arg8 : memref<128x16xf32, #tpu.memory_space<vmem>>) target(%dma_start3A_52 : memref<10112x16xf32, #tpu.memory_space<vmem_shared>>) offsets(%arg7 : memref<128xi32, #tpu.memory_space<vmem>>) semaphore(%run_scoped3A : memref<!tpu.dma_semaphore, #tpu.memory_space<semaphore_mem>>) {add = true}
        %dma_wait3A = arith.constant 0 : i32
        %dma_wait3A_53 = arith.constant 0 : i32
        %dma_wait3A_54 = tpu.memref_slice %arg9[%dma_wait3A, %dma_wait3A_53] : memref<10112x16xf32, #tpu.memory_space<vmem_shared>> -> memref<10112x16xf32, #tpu.memory_space<vmem_shared>>
        tpu.wait_indirect_dma semaphore(%run_scoped3A : memref<!tpu.dma_semaphore, #tpu.memory_space<semaphore_mem>>) src(%arg8 : memref<128x16xf32, #tpu.memory_space<vmem>>) dst(%dma_wait3A_54 : memref<10112x16xf32, #tpu.memory_space<vmem_shared>>)
        tpu.yield
      }) : () -> ()
    }
    %scan3A_11 = arith.constant 10 : i32
    %barrier3A_12 = arith.constant 0 : index
    tpu.barrier barrier_id(%barrier3A_12)
    "tpu.region"() ({
      %run_scoped3A = tpu.sem_alloc : memref<!tpu.dma_semaphore, #tpu.memory_space<semaphore_mem>>
      %dma_start3A = arith.constant 0 : i32
      %dma_start3A_13 = tpu.memref_slice %arg5[%arg0, %mul3A_0, %dma_start3A] : memref<2x10112x16xf32, #tpu.memory_space<hbm>> -> memref<1x632x16xf32, #tpu.memory_space<hbm>>
      %dma_start3A_14 = tpu.memref_squeeze %dma_start3A_13 : memref<1x632x16xf32, #tpu.memory_space<hbm>> -> memref<632x16xf32, #tpu.memory_space<hbm>>
      %dma_start3A_15 = arith.constant 0 : i32
      %dma_start3A_16 = tpu.memref_slice %arg9[%mul3A_0, %dma_start3A_15] : memref<10112x16xf32, #tpu.memory_space<vmem_shared>> -> memref<632x16xf32, #tpu.memory_space<vmem_shared>>
      tpu.enqueue_dma source(%dma_start3A_16 : memref<632x16xf32, #tpu.memory_space<vmem_shared>>) target(%dma_start3A_14 : memref<632x16xf32, #tpu.memory_space<hbm>>) target_semaphore(%run_scoped3A : memref<!tpu.dma_semaphore, #tpu.memory_space<semaphore_mem>>)
      %dma_wait3A = arith.constant 0 : i32
      %dma_wait3A_17 = tpu.memref_slice %arg5[%arg0, %mul3A_0, %dma_wait3A] : memref<2x10112x16xf32, #tpu.memory_space<hbm>> -> memref<1x632x16xf32, #tpu.memory_space<hbm>>
      %dma_wait3A_18 = tpu.memref_squeeze %dma_wait3A_17 : memref<1x632x16xf32, #tpu.memory_space<hbm>> -> memref<632x16xf32, #tpu.memory_space<hbm>>
      %dma_wait3A_19 = arith.constant 0 : i32
      %dma_wait3A_20 = tpu.memref_slice %arg9[%mul3A_0, %dma_wait3A_19] : memref<10112x16xf32, #tpu.memory_space<vmem_shared>> -> memref<632x16xf32, #tpu.memory_space<vmem_shared>>
      tpu.wait_dma2 semaphore(%run_scoped3A : memref<!tpu.dma_semaphore, #tpu.memory_space<semaphore_mem>>) src(%dma_wait3A_20 : memref<632x16xf32, #tpu.memory_space<vmem_shared>>) dst(%dma_wait3A_18 : memref<632x16xf32, #tpu.memory_space<hbm>>)
      tpu.yield
    }) : () -> ()
    return
  }
}

#map = affine_map<(d0, d1) -> (0, 0)>
#map1 = affine_map<(d0, d1) -> (0, 0, 0)>
module attributes {stable_mosaic.version = 14 : i64} {
  func.func @_edge_kernel(%arg0: i32, %arg1: i32, %arg2: memref<10112x128xf32, #tpu.memory_space<hbm>>, %arg3: memref<2560x128xi32, #tpu.memory_space<hbm>>, %arg4: memref<2560x128xi32, #tpu.memory_space<hbm>>, %arg5: memref<10112x128xf32, #tpu.memory_space<hbm>>, %arg6: memref<2x10112x128xf32, #tpu.memory_space<hbm>>, %arg7: memref<8x128xi32, #tpu.memory_space<vmem>>, %arg8: memref<128x128xi32, #tpu.memory_space<vmem_shared>>, %arg9: memref<128xi32, #tpu.memory_space<vmem>>, %arg10: memref<128x128xf32, #tpu.memory_space<vmem>>, %arg11: memref<10112x128xf32, #tpu.memory_space<vmem_shared>>) attributes {dimension_semantics = [#tpu.dimension_semantics<core_parallel>, #tpu.dimension_semantics<subcore_parallel>], iteration_bounds = array<i64: 2, 16>, scalar_prefetch = 0 : i64, scratch_operands = 5 : i64, tpu.core_type = #tpu.core_type<sc_vector_subcore>, window_params = [{transform_indices = #map}, {transform_indices = #map}, {transform_indices = #map}, {transform_indices = #map}, {transform_indices = #map1}]} {
    %mul3A = arith.constant 632 : i32
    %mul3A_0 = arith.muli %arg1, %mul3A : i32
    "tpu.region"() ({
      %run_scoped3A = tpu.sem_alloc : memref<!tpu.dma_semaphore, #tpu.memory_space<semaphore_mem>>
      %dma_start3A = arith.constant 0 : i32
      %dma_start3A_13 = tpu.memref_slice %arg11[%mul3A_0, %dma_start3A] : memref<10112x128xf32, #tpu.memory_space<vmem_shared>> -> memref<632x128xf32, #tpu.memory_space<vmem_shared>>
      %dma_start3A_14 = arith.constant 0 : i32
      %dma_start3A_15 = tpu.memref_slice %arg5[%mul3A_0, %dma_start3A_14] : memref<10112x128xf32, #tpu.memory_space<hbm>> -> memref<632x128xf32, #tpu.memory_space<hbm>>
      tpu.enqueue_dma source(%dma_start3A_15 : memref<632x128xf32, #tpu.memory_space<hbm>>) target(%dma_start3A_13 : memref<632x128xf32, #tpu.memory_space<vmem_shared>>) target_semaphore(%run_scoped3A : memref<!tpu.dma_semaphore, #tpu.memory_space<semaphore_mem>>)
      %dma_wait3A = arith.constant 0 : i32
      %dma_wait3A_16 = tpu.memref_slice %arg11[%mul3A_0, %dma_wait3A] : memref<10112x128xf32, #tpu.memory_space<vmem_shared>> -> memref<632x128xf32, #tpu.memory_space<vmem_shared>>
      %dma_wait3A_17 = arith.constant 0 : i32
      %dma_wait3A_18 = tpu.memref_slice %arg5[%mul3A_0, %dma_wait3A_17] : memref<10112x128xf32, #tpu.memory_space<hbm>> -> memref<632x128xf32, #tpu.memory_space<hbm>>
      tpu.wait_dma2 semaphore(%run_scoped3A : memref<!tpu.dma_semaphore, #tpu.memory_space<semaphore_mem>>) src(%dma_wait3A_18 : memref<632x128xf32, #tpu.memory_space<hbm>>) dst(%dma_wait3A_16 : memref<632x128xf32, #tpu.memory_space<vmem_shared>>)
      tpu.yield
    }) : () -> ()
    %barrier3A = arith.constant 0 : index
    tpu.barrier barrier_id(%barrier3A)
    %mul3A_1 = arith.constant 1280 : i32
    %mul3A_2 = arith.muli %arg0, %mul3A_1 : i32
    %mul3A_3 = arith.constant 10 : i32
    %mul3A_4 = arith.muli %arg1, %mul3A_3 : i32
    %mul3A_5 = arith.constant 8 : i32
    %mul3A_6 = arith.muli %mul3A_4, %mul3A_5 : i32
    %add3A = arith.addi %mul3A_2, %mul3A_6 : i32
    %scan3A = arith.constant 0 : i32
    %scan3A_7 = arith.constant 0 : i32
    %scan3A_8 = arith.constant 10 : i32
    %scan3A_9 = arith.addi %scan3A_7, %scan3A_8 : i32
    %scan3A_10 = arith.constant 1 : i32
    scf.for %scan3A_13 = %scan3A_7 to %scan3A_9 step %scan3A_10  : i32 {
      %mul3A_14 = arith.constant 8 : i32
      %mul3A_15 = arith.muli %scan3A_13, %mul3A_14 : i32
      %add3A_16 = arith.addi %add3A, %mul3A_15 : i32
      "tpu.region"() ({
        %run_scoped3A_61 = tpu.sem_alloc : memref<!tpu.dma_semaphore, #tpu.memory_space<semaphore_mem>>
        %dma_start3A = arith.constant 0 : i32
        %dma_start3A_62 = tpu.memref_slice %arg3[%add3A_16, %dma_start3A] : memref<2560x128xi32, #tpu.memory_space<hbm>> -> memref<8x128xi32, #tpu.memory_space<hbm>>
        %dma_start3A_63 = arith.constant 0 : i32
        %dma_start3A_64 = tpu.memref_slice %arg3[%add3A_16, %dma_start3A_63] : memref<2560x128xi32, #tpu.memory_space<hbm>> -> memref<8x128xi32, #tpu.memory_space<hbm>>
        tpu.enqueue_dma source(%dma_start3A_64 : memref<8x128xi32, #tpu.memory_space<hbm>>) target(%arg7 : memref<8x128xi32, #tpu.memory_space<vmem>>) target_semaphore(%run_scoped3A_61 : memref<!tpu.dma_semaphore, #tpu.memory_space<semaphore_mem>>)
        %dma_wait3A = arith.constant 0 : i32
        %dma_wait3A_65 = tpu.memref_slice %arg3[%add3A_16, %dma_wait3A] : memref<2560x128xi32, #tpu.memory_space<hbm>> -> memref<8x128xi32, #tpu.memory_space<hbm>>
        %dma_wait3A_66 = arith.constant 0 : i32
        %dma_wait3A_67 = tpu.memref_slice %arg3[%add3A_16, %dma_wait3A_66] : memref<2560x128xi32, #tpu.memory_space<hbm>> -> memref<8x128xi32, #tpu.memory_space<hbm>>
        tpu.wait_dma2 semaphore(%run_scoped3A_61 : memref<!tpu.dma_semaphore, #tpu.memory_space<semaphore_mem>>) src(%dma_wait3A_67 : memref<8x128xi32, #tpu.memory_space<hbm>>) dst(%arg7 : memref<8x128xi32, #tpu.memory_space<vmem>>)
        tpu.yield
      }) : () -> ()
      %mul3A_17 = arith.constant 8 : i32
      %mul3A_18 = arith.muli %scan3A_13, %mul3A_17 : i32
      %add3A_19 = arith.addi %add3A, %mul3A_18 : i32
      %mul3A_20 = arith.constant 8 : i32
      %mul3A_21 = arith.muli %arg1, %mul3A_20 : i32
      "tpu.region"() ({
        %run_scoped3A_61 = tpu.sem_alloc : memref<!tpu.dma_semaphore, #tpu.memory_space<semaphore_mem>>
        %dma_start3A = arith.constant 0 : i32
        %dma_start3A_62 = tpu.memref_slice %arg8[%mul3A_21, %dma_start3A] : memref<128x128xi32, #tpu.memory_space<vmem_shared>> -> memref<8x128xi32, #tpu.memory_space<vmem_shared>>
        %dma_start3A_63 = arith.constant 0 : i32
        %dma_start3A_64 = tpu.memref_slice %arg4[%add3A_19, %dma_start3A_63] : memref<2560x128xi32, #tpu.memory_space<hbm>> -> memref<8x128xi32, #tpu.memory_space<hbm>>
        tpu.enqueue_dma source(%dma_start3A_64 : memref<8x128xi32, #tpu.memory_space<hbm>>) target(%dma_start3A_62 : memref<8x128xi32, #tpu.memory_space<vmem_shared>>) target_semaphore(%run_scoped3A_61 : memref<!tpu.dma_semaphore, #tpu.memory_space<semaphore_mem>>)
        %dma_wait3A = arith.constant 0 : i32
        %dma_wait3A_65 = tpu.memref_slice %arg8[%mul3A_21, %dma_wait3A] : memref<128x128xi32, #tpu.memory_space<vmem_shared>> -> memref<8x128xi32, #tpu.memory_space<vmem_shared>>
        %dma_wait3A_66 = arith.constant 0 : i32
        %dma_wait3A_67 = tpu.memref_slice %arg4[%add3A_19, %dma_wait3A_66] : memref<2560x128xi32, #tpu.memory_space<hbm>> -> memref<8x128xi32, #tpu.memory_space<hbm>>
        tpu.wait_dma2 semaphore(%run_scoped3A_61 : memref<!tpu.dma_semaphore, #tpu.memory_space<semaphore_mem>>) src(%dma_wait3A_67 : memref<8x128xi32, #tpu.memory_space<hbm>>) dst(%dma_wait3A_65 : memref<8x128xi32, #tpu.memory_space<vmem_shared>>)
        tpu.yield
      }) : () -> ()
      %mul3A_22 = arith.constant 8 : i32
      %mul3A_23 = arith.muli %arg1, %mul3A_22 : i32
      %add3A_24 = arith.constant 0 : i32
      %add3A_25 = arith.addi %mul3A_23, %add3A_24 : i32
      "tpu.region"() ({
        %run_scoped3A_61 = tpu.sem_alloc : memref<!tpu.dma_semaphore, #tpu.memory_space<semaphore_mem>>
        %dma_start3A = arith.constant 0 : i32
        %dma_start3A_62 = tpu.memref_slice %arg8[%add3A_25, %dma_start3A] : memref<128x128xi32, #tpu.memory_space<vmem_shared>> -> memref<1x128xi32, #tpu.memory_space<vmem_shared>>
        %dma_start3A_63 = tpu.memref_squeeze %dma_start3A_62 : memref<1x128xi32, #tpu.memory_space<vmem_shared>> -> memref<128xi32, #tpu.memory_space<vmem_shared>>
        %dma_start3A_64 = arith.constant 0 : i32
        %dma_start3A_65 = tpu.memref_slice %arg8[%add3A_25, %dma_start3A_64] : memref<128x128xi32, #tpu.memory_space<vmem_shared>> -> memref<1x128xi32, #tpu.memory_space<vmem_shared>>
        %dma_start3A_66 = tpu.memref_squeeze %dma_start3A_65 : memref<1x128xi32, #tpu.memory_space<vmem_shared>> -> memref<128xi32, #tpu.memory_space<vmem_shared>>
        tpu.enqueue_dma source(%dma_start3A_66 : memref<128xi32, #tpu.memory_space<vmem_shared>>) target(%arg9 : memref<128xi32, #tpu.memory_space<vmem>>) target_semaphore(%run_scoped3A_61 : memref<!tpu.dma_semaphore, #tpu.memory_space<semaphore_mem>>)
        %dma_wait3A = arith.constant 0 : i32
        %dma_wait3A_67 = tpu.memref_slice %arg8[%add3A_25, %dma_wait3A] : memref<128x128xi32, #tpu.memory_space<vmem_shared>> -> memref<1x128xi32, #tpu.memory_space<vmem_shared>>
        %dma_wait3A_68 = tpu.memref_squeeze %dma_wait3A_67 : memref<1x128xi32, #tpu.memory_space<vmem_shared>> -> memref<128xi32, #tpu.memory_space<vmem_shared>>
        %dma_wait3A_69 = arith.constant 0 : i32
        %dma_wait3A_70 = tpu.memref_slice %arg8[%add3A_25, %dma_wait3A_69] : memref<128x128xi32, #tpu.memory_space<vmem_shared>> -> memref<1x128xi32, #tpu.memory_space<vmem_shared>>
        %dma_wait3A_71 = tpu.memref_squeeze %dma_wait3A_70 : memref<1x128xi32, #tpu.memory_space<vmem_shared>> -> memref<128xi32, #tpu.memory_space<vmem_shared>>
        tpu.wait_dma2 semaphore(%run_scoped3A_61 : memref<!tpu.dma_semaphore, #tpu.memory_space<semaphore_mem>>) src(%dma_wait3A_71 : memref<128xi32, #tpu.memory_space<vmem_shared>>) dst(%arg9 : memref<128xi32, #tpu.memory_space<vmem>>)
        tpu.yield
      }) : () -> ()
      %run_scoped3A = arith.constant 0 : i32
      "tpu.region"() ({
        %run_scoped3A_61 = tpu.sem_alloc : memref<!tpu.dma_semaphore, #tpu.memory_space<semaphore_mem>>
        %dma_start3A = arith.constant 0 : i32
        %dma_start3A_62 = tpu.memref_slice %arg7[%run_scoped3A, %dma_start3A] : memref<8x128xi32, #tpu.memory_space<vmem>> -> memref<1x128xi32, #tpu.memory_space<vmem>>
        %dma_start3A_63 = tpu.memref_squeeze %dma_start3A_62 : memref<1x128xi32, #tpu.memory_space<vmem>> -> memref<128xi32, #tpu.memory_space<vmem>>
        %dma_start3A_64 = arith.constant 0 : i32
        %dma_start3A_65 = arith.constant 0 : i32
        %dma_start3A_66 = tpu.memref_slice %arg2[%dma_start3A_64, %dma_start3A_65] : memref<10112x128xf32, #tpu.memory_space<hbm>> -> memref<10112x128xf32, #tpu.memory_space<hbm>>
        tpu.enqueue_indirect_dma source(%dma_start3A_66 : memref<10112x128xf32, #tpu.memory_space<hbm>>) target(%arg10 : memref<128x128xf32, #tpu.memory_space<vmem>>) offsets(%dma_start3A_63 : memref<128xi32, #tpu.memory_space<vmem>>) semaphore(%run_scoped3A_61 : memref<!tpu.dma_semaphore, #tpu.memory_space<semaphore_mem>>)
        %dma_wait3A = arith.constant 0 : i32
        %dma_wait3A_67 = tpu.memref_slice %arg7[%run_scoped3A, %dma_wait3A] : memref<8x128xi32, #tpu.memory_space<vmem>> -> memref<1x128xi32, #tpu.memory_space<vmem>>
        %dma_wait3A_68 = tpu.memref_squeeze %dma_wait3A_67 : memref<1x128xi32, #tpu.memory_space<vmem>> -> memref<128xi32, #tpu.memory_space<vmem>>
        %dma_wait3A_69 = arith.constant 0 : i32
        %dma_wait3A_70 = arith.constant 0 : i32
        %dma_wait3A_71 = tpu.memref_slice %arg2[%dma_wait3A_69, %dma_wait3A_70] : memref<10112x128xf32, #tpu.memory_space<hbm>> -> memref<10112x128xf32, #tpu.memory_space<hbm>>
        tpu.wait_indirect_dma semaphore(%run_scoped3A_61 : memref<!tpu.dma_semaphore, #tpu.memory_space<semaphore_mem>>) src(%dma_wait3A_71 : memref<10112x128xf32, #tpu.memory_space<hbm>>) dst(%arg10 : memref<128x128xf32, #tpu.memory_space<vmem>>)
        tpu.yield
      }) : () -> ()
      "tpu.region"() ({
        %run_scoped3A_61 = tpu.sem_alloc : memref<!tpu.dma_semaphore, #tpu.memory_space<semaphore_mem>>
        %dma_start3A = arith.constant 0 : i32
        %dma_start3A_62 = arith.constant 0 : i32
        %dma_start3A_63 = tpu.memref_slice %arg11[%dma_start3A, %dma_start3A_62] : memref<10112x128xf32, #tpu.memory_space<vmem_shared>> -> memref<10112x128xf32, #tpu.memory_space<vmem_shared>>
        tpu.enqueue_indirect_dma source(%arg10 : memref<128x128xf32, #tpu.memory_space<vmem>>) target(%dma_start3A_63 : memref<10112x128xf32, #tpu.memory_space<vmem_shared>>) offsets(%arg9 : memref<128xi32, #tpu.memory_space<vmem>>) semaphore(%run_scoped3A_61 : memref<!tpu.dma_semaphore, #tpu.memory_space<semaphore_mem>>) {add = true}
        %dma_wait3A = arith.constant 0 : i32
        %dma_wait3A_64 = arith.constant 0 : i32
        %dma_wait3A_65 = tpu.memref_slice %arg11[%dma_wait3A, %dma_wait3A_64] : memref<10112x128xf32, #tpu.memory_space<vmem_shared>> -> memref<10112x128xf32, #tpu.memory_space<vmem_shared>>
        tpu.wait_indirect_dma semaphore(%run_scoped3A_61 : memref<!tpu.dma_semaphore, #tpu.memory_space<semaphore_mem>>) src(%arg10 : memref<128x128xf32, #tpu.memory_space<vmem>>) dst(%dma_wait3A_65 : memref<10112x128xf32, #tpu.memory_space<vmem_shared>>)
        tpu.yield
      }) : () -> ()
      %mul3A_26 = arith.constant 8 : i32
      %mul3A_27 = arith.muli %arg1, %mul3A_26 : i32
      %add3A_28 = arith.constant 1 : i32
      %add3A_29 = arith.addi %mul3A_27, %add3A_28 : i32
      "tpu.region"() ({
        %run_scoped3A_61 = tpu.sem_alloc : memref<!tpu.dma_semaphore, #tpu.memory_space<semaphore_mem>>
        %dma_start3A = arith.constant 0 : i32
        %dma_start3A_62 = tpu.memref_slice %arg8[%add3A_29, %dma_start3A] : memref<128x128xi32, #tpu.memory_space<vmem_shared>> -> memref<1x128xi32, #tpu.memory_space<vmem_shared>>
        %dma_start3A_63 = tpu.memref_squeeze %dma_start3A_62 : memref<1x128xi32, #tpu.memory_space<vmem_shared>> -> memref<128xi32, #tpu.memory_space<vmem_shared>>
        %dma_start3A_64 = arith.constant 0 : i32
        %dma_start3A_65 = tpu.memref_slice %arg8[%add3A_29, %dma_start3A_64] : memref<128x128xi32, #tpu.memory_space<vmem_shared>> -> memref<1x128xi32, #tpu.memory_space<vmem_shared>>
        %dma_start3A_66 = tpu.memref_squeeze %dma_start3A_65 : memref<1x128xi32, #tpu.memory_space<vmem_shared>> -> memref<128xi32, #tpu.memory_space<vmem_shared>>
        tpu.enqueue_dma source(%dma_start3A_66 : memref<128xi32, #tpu.memory_space<vmem_shared>>) target(%arg9 : memref<128xi32, #tpu.memory_space<vmem>>) target_semaphore(%run_scoped3A_61 : memref<!tpu.dma_semaphore, #tpu.memory_space<semaphore_mem>>)
        %dma_wait3A = arith.constant 0 : i32
        %dma_wait3A_67 = tpu.memref_slice %arg8[%add3A_29, %dma_wait3A] : memref<128x128xi32, #tpu.memory_space<vmem_shared>> -> memref<1x128xi32, #tpu.memory_space<vmem_shared>>
        %dma_wait3A_68 = tpu.memref_squeeze %dma_wait3A_67 : memref<1x128xi32, #tpu.memory_space<vmem_shared>> -> memref<128xi32, #tpu.memory_space<vmem_shared>>
        %dma_wait3A_69 = arith.constant 0 : i32
        %dma_wait3A_70 = tpu.memref_slice %arg8[%add3A_29, %dma_wait3A_69] : memref<128x128xi32, #tpu.memory_space<vmem_shared>> -> memref<1x128xi32, #tpu.memory_space<vmem_shared>>
        %dma_wait3A_71 = tpu.memref_squeeze %dma_wait3A_70 : memref<1x128xi32, #tpu.memory_space<vmem_shared>> -> memref<128xi32, #tpu.memory_space<vmem_shared>>
        tpu.wait_dma2 semaphore(%run_scoped3A_61 : memref<!tpu.dma_semaphore, #tpu.memory_space<semaphore_mem>>) src(%dma_wait3A_71 : memref<128xi32, #tpu.memory_space<vmem_shared>>) dst(%arg9 : memref<128xi32, #tpu.memory_space<vmem>>)
        tpu.yield
      }) : () -> ()
      %run_scoped3A_30 = arith.constant 1 : i32
      "tpu.region"() ({
        %run_scoped3A_61 = tpu.sem_alloc : memref<!tpu.dma_semaphore, #tpu.memory_space<semaphore_mem>>
        %dma_start3A = arith.constant 0 : i32
        %dma_start3A_62 = tpu.memref_slice %arg7[%run_scoped3A_30, %dma_start3A] : memref<8x128xi32, #tpu.memory_space<vmem>> -> memref<1x128xi32, #tpu.memory_space<vmem>>
        %dma_start3A_63 = tpu.memref_squeeze %dma_start3A_62 : memref<1x128xi32, #tpu.memory_space<vmem>> -> memref<128xi32, #tpu.memory_space<vmem>>
        %dma_start3A_64 = arith.constant 0 : i32
        %dma_start3A_65 = arith.constant 0 : i32
        %dma_start3A_66 = tpu.memref_slice %arg2[%dma_start3A_64, %dma_start3A_65] : memref<10112x128xf32, #tpu.memory_space<hbm>> -> memref<10112x128xf32, #tpu.memory_space<hbm>>
        tpu.enqueue_indirect_dma source(%dma_start3A_66 : memref<10112x128xf32, #tpu.memory_space<hbm>>) target(%arg10 : memref<128x128xf32, #tpu.memory_space<vmem>>) offsets(%dma_start3A_63 : memref<128xi32, #tpu.memory_space<vmem>>) semaphore(%run_scoped3A_61 : memref<!tpu.dma_semaphore, #tpu.memory_space<semaphore_mem>>)
        %dma_wait3A = arith.constant 0 : i32
        %dma_wait3A_67 = tpu.memref_slice %arg7[%run_scoped3A_30, %dma_wait3A] : memref<8x128xi32, #tpu.memory_space<vmem>> -> memref<1x128xi32, #tpu.memory_space<vmem>>
        %dma_wait3A_68 = tpu.memref_squeeze %dma_wait3A_67 : memref<1x128xi32, #tpu.memory_space<vmem>> -> memref<128xi32, #tpu.memory_space<vmem>>
        %dma_wait3A_69 = arith.constant 0 : i32
        %dma_wait3A_70 = arith.constant 0 : i32
        %dma_wait3A_71 = tpu.memref_slice %arg2[%dma_wait3A_69, %dma_wait3A_70] : memref<10112x128xf32, #tpu.memory_space<hbm>> -> memref<10112x128xf32, #tpu.memory_space<hbm>>
        tpu.wait_indirect_dma semaphore(%run_scoped3A_61 : memref<!tpu.dma_semaphore, #tpu.memory_space<semaphore_mem>>) src(%dma_wait3A_71 : memref<10112x128xf32, #tpu.memory_space<hbm>>) dst(%arg10 : memref<128x128xf32, #tpu.memory_space<vmem>>)
        tpu.yield
      }) : () -> ()
      "tpu.region"() ({
        %run_scoped3A_61 = tpu.sem_alloc : memref<!tpu.dma_semaphore, #tpu.memory_space<semaphore_mem>>
        %dma_start3A = arith.constant 0 : i32
        %dma_start3A_62 = arith.constant 0 : i32
        %dma_start3A_63 = tpu.memref_slice %arg11[%dma_start3A, %dma_start3A_62] : memref<10112x128xf32, #tpu.memory_space<vmem_shared>> -> memref<10112x128xf32, #tpu.memory_space<vmem_shared>>
        tpu.enqueue_indirect_dma source(%arg10 : memref<128x128xf32, #tpu.memory_space<vmem>>) target(%dma_start3A_63 : memref<10112x128xf32, #tpu.memory_space<vmem_shared>>) offsets(%arg9 : memref<128xi32, #tpu.memory_space<vmem>>) semaphore(%run_scoped3A_61 : memref<!tpu.dma_semaphore, #tpu.memory_space<semaphore_mem>>) {add = true}
        %dma_wait3A = arith.constant 0 : i32
        %dma_wait3A_64 = arith.constant 0 : i32
        %dma_wait3A_65 = tpu.memref_slice %arg11[%dma_wait3A, %dma_wait3A_64] : memref<10112x128xf32, #tpu.memory_space<vmem_shared>> -> memref<10112x128xf32, #tpu.memory_space<vmem_shared>>
        tpu.wait_indirect_dma semaphore(%run_scoped3A_61 : memref<!tpu.dma_semaphore, #tpu.memory_space<semaphore_mem>>) src(%arg10 : memref<128x128xf32, #tpu.memory_space<vmem>>) dst(%dma_wait3A_65 : memref<10112x128xf32, #tpu.memory_space<vmem_shared>>)
        tpu.yield
      }) : () -> ()
      %mul3A_31 = arith.constant 8 : i32
      %mul3A_32 = arith.muli %arg1, %mul3A_31 : i32
      %add3A_33 = arith.constant 2 : i32
      %add3A_34 = arith.addi %mul3A_32, %add3A_33 : i32
      "tpu.region"() ({
        %run_scoped3A_61 = tpu.sem_alloc : memref<!tpu.dma_semaphore, #tpu.memory_space<semaphore_mem>>
        %dma_start3A = arith.constant 0 : i32
        %dma_start3A_62 = tpu.memref_slice %arg8[%add3A_34, %dma_start3A] : memref<128x128xi32, #tpu.memory_space<vmem_shared>> -> memref<1x128xi32, #tpu.memory_space<vmem_shared>>
        %dma_start3A_63 = tpu.memref_squeeze %dma_start3A_62 : memref<1x128xi32, #tpu.memory_space<vmem_shared>> -> memref<128xi32, #tpu.memory_space<vmem_shared>>
        %dma_start3A_64 = arith.constant 0 : i32
        %dma_start3A_65 = tpu.memref_slice %arg8[%add3A_34, %dma_start3A_64] : memref<128x128xi32, #tpu.memory_space<vmem_shared>> -> memref<1x128xi32, #tpu.memory_space<vmem_shared>>
        %dma_start3A_66 = tpu.memref_squeeze %dma_start3A_65 : memref<1x128xi32, #tpu.memory_space<vmem_shared>> -> memref<128xi32, #tpu.memory_space<vmem_shared>>
        tpu.enqueue_dma source(%dma_start3A_66 : memref<128xi32, #tpu.memory_space<vmem_shared>>) target(%arg9 : memref<128xi32, #tpu.memory_space<vmem>>) target_semaphore(%run_scoped3A_61 : memref<!tpu.dma_semaphore, #tpu.memory_space<semaphore_mem>>)
        %dma_wait3A = arith.constant 0 : i32
        %dma_wait3A_67 = tpu.memref_slice %arg8[%add3A_34, %dma_wait3A] : memref<128x128xi32, #tpu.memory_space<vmem_shared>> -> memref<1x128xi32, #tpu.memory_space<vmem_shared>>
        %dma_wait3A_68 = tpu.memref_squeeze %dma_wait3A_67 : memref<1x128xi32, #tpu.memory_space<vmem_shared>> -> memref<128xi32, #tpu.memory_space<vmem_shared>>
        %dma_wait3A_69 = arith.constant 0 : i32
        %dma_wait3A_70 = tpu.memref_slice %arg8[%add3A_34, %dma_wait3A_69] : memref<128x128xi32, #tpu.memory_space<vmem_shared>> -> memref<1x128xi32, #tpu.memory_space<vmem_shared>>
        %dma_wait3A_71 = tpu.memref_squeeze %dma_wait3A_70 : memref<1x128xi32, #tpu.memory_space<vmem_shared>> -> memref<128xi32, #tpu.memory_space<vmem_shared>>
        tpu.wait_dma2 semaphore(%run_scoped3A_61 : memref<!tpu.dma_semaphore, #tpu.memory_space<semaphore_mem>>) src(%dma_wait3A_71 : memref<128xi32, #tpu.memory_space<vmem_shared>>) dst(%arg9 : memref<128xi32, #tpu.memory_space<vmem>>)
        tpu.yield
      }) : () -> ()
      %run_scoped3A_35 = arith.constant 2 : i32
      "tpu.region"() ({
        %run_scoped3A_61 = tpu.sem_alloc : memref<!tpu.dma_semaphore, #tpu.memory_space<semaphore_mem>>
        %dma_start3A = arith.constant 0 : i32
        %dma_start3A_62 = tpu.memref_slice %arg7[%run_scoped3A_35, %dma_start3A] : memref<8x128xi32, #tpu.memory_space<vmem>> -> memref<1x128xi32, #tpu.memory_space<vmem>>
        %dma_start3A_63 = tpu.memref_squeeze %dma_start3A_62 : memref<1x128xi32, #tpu.memory_space<vmem>> -> memref<128xi32, #tpu.memory_space<vmem>>
        %dma_start3A_64 = arith.constant 0 : i32
        %dma_start3A_65 = arith.constant 0 : i32
        %dma_start3A_66 = tpu.memref_slice %arg2[%dma_start3A_64, %dma_start3A_65] : memref<10112x128xf32, #tpu.memory_space<hbm>> -> memref<10112x128xf32, #tpu.memory_space<hbm>>
        tpu.enqueue_indirect_dma source(%dma_start3A_66 : memref<10112x128xf32, #tpu.memory_space<hbm>>) target(%arg10 : memref<128x128xf32, #tpu.memory_space<vmem>>) offsets(%dma_start3A_63 : memref<128xi32, #tpu.memory_space<vmem>>) semaphore(%run_scoped3A_61 : memref<!tpu.dma_semaphore, #tpu.memory_space<semaphore_mem>>)
        %dma_wait3A = arith.constant 0 : i32
        %dma_wait3A_67 = tpu.memref_slice %arg7[%run_scoped3A_35, %dma_wait3A] : memref<8x128xi32, #tpu.memory_space<vmem>> -> memref<1x128xi32, #tpu.memory_space<vmem>>
        %dma_wait3A_68 = tpu.memref_squeeze %dma_wait3A_67 : memref<1x128xi32, #tpu.memory_space<vmem>> -> memref<128xi32, #tpu.memory_space<vmem>>
        %dma_wait3A_69 = arith.constant 0 : i32
        %dma_wait3A_70 = arith.constant 0 : i32
        %dma_wait3A_71 = tpu.memref_slice %arg2[%dma_wait3A_69, %dma_wait3A_70] : memref<10112x128xf32, #tpu.memory_space<hbm>> -> memref<10112x128xf32, #tpu.memory_space<hbm>>
        tpu.wait_indirect_dma semaphore(%run_scoped3A_61 : memref<!tpu.dma_semaphore, #tpu.memory_space<semaphore_mem>>) src(%dma_wait3A_71 : memref<10112x128xf32, #tpu.memory_space<hbm>>) dst(%arg10 : memref<128x128xf32, #tpu.memory_space<vmem>>)
        tpu.yield
      }) : () -> ()
      "tpu.region"() ({
        %run_scoped3A_61 = tpu.sem_alloc : memref<!tpu.dma_semaphore, #tpu.memory_space<semaphore_mem>>
        %dma_start3A = arith.constant 0 : i32
        %dma_start3A_62 = arith.constant 0 : i32
        %dma_start3A_63 = tpu.memref_slice %arg11[%dma_start3A, %dma_start3A_62] : memref<10112x128xf32, #tpu.memory_space<vmem_shared>> -> memref<10112x128xf32, #tpu.memory_space<vmem_shared>>
        tpu.enqueue_indirect_dma source(%arg10 : memref<128x128xf32, #tpu.memory_space<vmem>>) target(%dma_start3A_63 : memref<10112x128xf32, #tpu.memory_space<vmem_shared>>) offsets(%arg9 : memref<128xi32, #tpu.memory_space<vmem>>) semaphore(%run_scoped3A_61 : memref<!tpu.dma_semaphore, #tpu.memory_space<semaphore_mem>>) {add = true}
        %dma_wait3A = arith.constant 0 : i32
        %dma_wait3A_64 = arith.constant 0 : i32
        %dma_wait3A_65 = tpu.memref_slice %arg11[%dma_wait3A, %dma_wait3A_64] : memref<10112x128xf32, #tpu.memory_space<vmem_shared>> -> memref<10112x128xf32, #tpu.memory_space<vmem_shared>>
        tpu.wait_indirect_dma semaphore(%run_scoped3A_61 : memref<!tpu.dma_semaphore, #tpu.memory_space<semaphore_mem>>) src(%arg10 : memref<128x128xf32, #tpu.memory_space<vmem>>) dst(%dma_wait3A_65 : memref<10112x128xf32, #tpu.memory_space<vmem_shared>>)
        tpu.yield
      }) : () -> ()
      %mul3A_36 = arith.constant 8 : i32
      %mul3A_37 = arith.muli %arg1, %mul3A_36 : i32
      %add3A_38 = arith.constant 3 : i32
      %add3A_39 = arith.addi %mul3A_37, %add3A_38 : i32
      "tpu.region"() ({
        %run_scoped3A_61 = tpu.sem_alloc : memref<!tpu.dma_semaphore, #tpu.memory_space<semaphore_mem>>
        %dma_start3A = arith.constant 0 : i32
        %dma_start3A_62 = tpu.memref_slice %arg8[%add3A_39, %dma_start3A] : memref<128x128xi32, #tpu.memory_space<vmem_shared>> -> memref<1x128xi32, #tpu.memory_space<vmem_shared>>
        %dma_start3A_63 = tpu.memref_squeeze %dma_start3A_62 : memref<1x128xi32, #tpu.memory_space<vmem_shared>> -> memref<128xi32, #tpu.memory_space<vmem_shared>>
        %dma_start3A_64 = arith.constant 0 : i32
        %dma_start3A_65 = tpu.memref_slice %arg8[%add3A_39, %dma_start3A_64] : memref<128x128xi32, #tpu.memory_space<vmem_shared>> -> memref<1x128xi32, #tpu.memory_space<vmem_shared>>
        %dma_start3A_66 = tpu.memref_squeeze %dma_start3A_65 : memref<1x128xi32, #tpu.memory_space<vmem_shared>> -> memref<128xi32, #tpu.memory_space<vmem_shared>>
        tpu.enqueue_dma source(%dma_start3A_66 : memref<128xi32, #tpu.memory_space<vmem_shared>>) target(%arg9 : memref<128xi32, #tpu.memory_space<vmem>>) target_semaphore(%run_scoped3A_61 : memref<!tpu.dma_semaphore, #tpu.memory_space<semaphore_mem>>)
        %dma_wait3A = arith.constant 0 : i32
        %dma_wait3A_67 = tpu.memref_slice %arg8[%add3A_39, %dma_wait3A] : memref<128x128xi32, #tpu.memory_space<vmem_shared>> -> memref<1x128xi32, #tpu.memory_space<vmem_shared>>
        %dma_wait3A_68 = tpu.memref_squeeze %dma_wait3A_67 : memref<1x128xi32, #tpu.memory_space<vmem_shared>> -> memref<128xi32, #tpu.memory_space<vmem_shared>>
        %dma_wait3A_69 = arith.constant 0 : i32
        %dma_wait3A_70 = tpu.memref_slice %arg8[%add3A_39, %dma_wait3A_69] : memref<128x128xi32, #tpu.memory_space<vmem_shared>> -> memref<1x128xi32, #tpu.memory_space<vmem_shared>>
        %dma_wait3A_71 = tpu.memref_squeeze %dma_wait3A_70 : memref<1x128xi32, #tpu.memory_space<vmem_shared>> -> memref<128xi32, #tpu.memory_space<vmem_shared>>
        tpu.wait_dma2 semaphore(%run_scoped3A_61 : memref<!tpu.dma_semaphore, #tpu.memory_space<semaphore_mem>>) src(%dma_wait3A_71 : memref<128xi32, #tpu.memory_space<vmem_shared>>) dst(%arg9 : memref<128xi32, #tpu.memory_space<vmem>>)
        tpu.yield
      }) : () -> ()
      %run_scoped3A_40 = arith.constant 3 : i32
      "tpu.region"() ({
        %run_scoped3A_61 = tpu.sem_alloc : memref<!tpu.dma_semaphore, #tpu.memory_space<semaphore_mem>>
        %dma_start3A = arith.constant 0 : i32
        %dma_start3A_62 = tpu.memref_slice %arg7[%run_scoped3A_40, %dma_start3A] : memref<8x128xi32, #tpu.memory_space<vmem>> -> memref<1x128xi32, #tpu.memory_space<vmem>>
        %dma_start3A_63 = tpu.memref_squeeze %dma_start3A_62 : memref<1x128xi32, #tpu.memory_space<vmem>> -> memref<128xi32, #tpu.memory_space<vmem>>
        %dma_start3A_64 = arith.constant 0 : i32
        %dma_start3A_65 = arith.constant 0 : i32
        %dma_start3A_66 = tpu.memref_slice %arg2[%dma_start3A_64, %dma_start3A_65] : memref<10112x128xf32, #tpu.memory_space<hbm>> -> memref<10112x128xf32, #tpu.memory_space<hbm>>
        tpu.enqueue_indirect_dma source(%dma_start3A_66 : memref<10112x128xf32, #tpu.memory_space<hbm>>) target(%arg10 : memref<128x128xf32, #tpu.memory_space<vmem>>) offsets(%dma_start3A_63 : memref<128xi32, #tpu.memory_space<vmem>>) semaphore(%run_scoped3A_61 : memref<!tpu.dma_semaphore, #tpu.memory_space<semaphore_mem>>)
        %dma_wait3A = arith.constant 0 : i32
        %dma_wait3A_67 = tpu.memref_slice %arg7[%run_scoped3A_40, %dma_wait3A] : memref<8x128xi32, #tpu.memory_space<vmem>> -> memref<1x128xi32, #tpu.memory_space<vmem>>
        %dma_wait3A_68 = tpu.memref_squeeze %dma_wait3A_67 : memref<1x128xi32, #tpu.memory_space<vmem>> -> memref<128xi32, #tpu.memory_space<vmem>>
        %dma_wait3A_69 = arith.constant 0 : i32
        %dma_wait3A_70 = arith.constant 0 : i32
        %dma_wait3A_71 = tpu.memref_slice %arg2[%dma_wait3A_69, %dma_wait3A_70] : memref<10112x128xf32, #tpu.memory_space<hbm>> -> memref<10112x128xf32, #tpu.memory_space<hbm>>
        tpu.wait_indirect_dma semaphore(%run_scoped3A_61 : memref<!tpu.dma_semaphore, #tpu.memory_space<semaphore_mem>>) src(%dma_wait3A_71 : memref<10112x128xf32, #tpu.memory_space<hbm>>) dst(%arg10 : memref<128x128xf32, #tpu.memory_space<vmem>>)
        tpu.yield
      }) : () -> ()
      "tpu.region"() ({
        %run_scoped3A_61 = tpu.sem_alloc : memref<!tpu.dma_semaphore, #tpu.memory_space<semaphore_mem>>
        %dma_start3A = arith.constant 0 : i32
        %dma_start3A_62 = arith.constant 0 : i32
        %dma_start3A_63 = tpu.memref_slice %arg11[%dma_start3A, %dma_start3A_62] : memref<10112x128xf32, #tpu.memory_space<vmem_shared>> -> memref<10112x128xf32, #tpu.memory_space<vmem_shared>>
        tpu.enqueue_indirect_dma source(%arg10 : memref<128x128xf32, #tpu.memory_space<vmem>>) target(%dma_start3A_63 : memref<10112x128xf32, #tpu.memory_space<vmem_shared>>) offsets(%arg9 : memref<128xi32, #tpu.memory_space<vmem>>) semaphore(%run_scoped3A_61 : memref<!tpu.dma_semaphore, #tpu.memory_space<semaphore_mem>>) {add = true}
        %dma_wait3A = arith.constant 0 : i32
        %dma_wait3A_64 = arith.constant 0 : i32
        %dma_wait3A_65 = tpu.memref_slice %arg11[%dma_wait3A, %dma_wait3A_64] : memref<10112x128xf32, #tpu.memory_space<vmem_shared>> -> memref<10112x128xf32, #tpu.memory_space<vmem_shared>>
        tpu.wait_indirect_dma semaphore(%run_scoped3A_61 : memref<!tpu.dma_semaphore, #tpu.memory_space<semaphore_mem>>) src(%arg10 : memref<128x128xf32, #tpu.memory_space<vmem>>) dst(%dma_wait3A_65 : memref<10112x128xf32, #tpu.memory_space<vmem_shared>>)
        tpu.yield
      }) : () -> ()
      %mul3A_41 = arith.constant 8 : i32
      %mul3A_42 = arith.muli %arg1, %mul3A_41 : i32
      %add3A_43 = arith.constant 4 : i32
      %add3A_44 = arith.addi %mul3A_42, %add3A_43 : i32
      "tpu.region"() ({
        %run_scoped3A_61 = tpu.sem_alloc : memref<!tpu.dma_semaphore, #tpu.memory_space<semaphore_mem>>
        %dma_start3A = arith.constant 0 : i32
        %dma_start3A_62 = tpu.memref_slice %arg8[%add3A_44, %dma_start3A] : memref<128x128xi32, #tpu.memory_space<vmem_shared>> -> memref<1x128xi32, #tpu.memory_space<vmem_shared>>
        %dma_start3A_63 = tpu.memref_squeeze %dma_start3A_62 : memref<1x128xi32, #tpu.memory_space<vmem_shared>> -> memref<128xi32, #tpu.memory_space<vmem_shared>>
        %dma_start3A_64 = arith.constant 0 : i32
        %dma_start3A_65 = tpu.memref_slice %arg8[%add3A_44, %dma_start3A_64] : memref<128x128xi32, #tpu.memory_space<vmem_shared>> -> memref<1x128xi32, #tpu.memory_space<vmem_shared>>
        %dma_start3A_66 = tpu.memref_squeeze %dma_start3A_65 : memref<1x128xi32, #tpu.memory_space<vmem_shared>> -> memref<128xi32, #tpu.memory_space<vmem_shared>>
        tpu.enqueue_dma source(%dma_start3A_66 : memref<128xi32, #tpu.memory_space<vmem_shared>>) target(%arg9 : memref<128xi32, #tpu.memory_space<vmem>>) target_semaphore(%run_scoped3A_61 : memref<!tpu.dma_semaphore, #tpu.memory_space<semaphore_mem>>)
        %dma_wait3A = arith.constant 0 : i32
        %dma_wait3A_67 = tpu.memref_slice %arg8[%add3A_44, %dma_wait3A] : memref<128x128xi32, #tpu.memory_space<vmem_shared>> -> memref<1x128xi32, #tpu.memory_space<vmem_shared>>
        %dma_wait3A_68 = tpu.memref_squeeze %dma_wait3A_67 : memref<1x128xi32, #tpu.memory_space<vmem_shared>> -> memref<128xi32, #tpu.memory_space<vmem_shared>>
        %dma_wait3A_69 = arith.constant 0 : i32
        %dma_wait3A_70 = tpu.memref_slice %arg8[%add3A_44, %dma_wait3A_69] : memref<128x128xi32, #tpu.memory_space<vmem_shared>> -> memref<1x128xi32, #tpu.memory_space<vmem_shared>>
        %dma_wait3A_71 = tpu.memref_squeeze %dma_wait3A_70 : memref<1x128xi32, #tpu.memory_space<vmem_shared>> -> memref<128xi32, #tpu.memory_space<vmem_shared>>
        tpu.wait_dma2 semaphore(%run_scoped3A_61 : memref<!tpu.dma_semaphore, #tpu.memory_space<semaphore_mem>>) src(%dma_wait3A_71 : memref<128xi32, #tpu.memory_space<vmem_shared>>) dst(%arg9 : memref<128xi32, #tpu.memory_space<vmem>>)
        tpu.yield
      }) : () -> ()
      %run_scoped3A_45 = arith.constant 4 : i32
      "tpu.region"() ({
        %run_scoped3A_61 = tpu.sem_alloc : memref<!tpu.dma_semaphore, #tpu.memory_space<semaphore_mem>>
        %dma_start3A = arith.constant 0 : i32
        %dma_start3A_62 = tpu.memref_slice %arg7[%run_scoped3A_45, %dma_start3A] : memref<8x128xi32, #tpu.memory_space<vmem>> -> memref<1x128xi32, #tpu.memory_space<vmem>>
        %dma_start3A_63 = tpu.memref_squeeze %dma_start3A_62 : memref<1x128xi32, #tpu.memory_space<vmem>> -> memref<128xi32, #tpu.memory_space<vmem>>
        %dma_start3A_64 = arith.constant 0 : i32
        %dma_start3A_65 = arith.constant 0 : i32
        %dma_start3A_66 = tpu.memref_slice %arg2[%dma_start3A_64, %dma_start3A_65] : memref<10112x128xf32, #tpu.memory_space<hbm>> -> memref<10112x128xf32, #tpu.memory_space<hbm>>
        tpu.enqueue_indirect_dma source(%dma_start3A_66 : memref<10112x128xf32, #tpu.memory_space<hbm>>) target(%arg10 : memref<128x128xf32, #tpu.memory_space<vmem>>) offsets(%dma_start3A_63 : memref<128xi32, #tpu.memory_space<vmem>>) semaphore(%run_scoped3A_61 : memref<!tpu.dma_semaphore, #tpu.memory_space<semaphore_mem>>)
        %dma_wait3A = arith.constant 0 : i32
        %dma_wait3A_67 = tpu.memref_slice %arg7[%run_scoped3A_45, %dma_wait3A] : memref<8x128xi32, #tpu.memory_space<vmem>> -> memref<1x128xi32, #tpu.memory_space<vmem>>
        %dma_wait3A_68 = tpu.memref_squeeze %dma_wait3A_67 : memref<1x128xi32, #tpu.memory_space<vmem>> -> memref<128xi32, #tpu.memory_space<vmem>>
        %dma_wait3A_69 = arith.constant 0 : i32
        %dma_wait3A_70 = arith.constant 0 : i32
        %dma_wait3A_71 = tpu.memref_slice %arg2[%dma_wait3A_69, %dma_wait3A_70] : memref<10112x128xf32, #tpu.memory_space<hbm>> -> memref<10112x128xf32, #tpu.memory_space<hbm>>
        tpu.wait_indirect_dma semaphore(%run_scoped3A_61 : memref<!tpu.dma_semaphore, #tpu.memory_space<semaphore_mem>>) src(%dma_wait3A_71 : memref<10112x128xf32, #tpu.memory_space<hbm>>) dst(%arg10 : memref<128x128xf32, #tpu.memory_space<vmem>>)
        tpu.yield
      }) : () -> ()
      "tpu.region"() ({
        %run_scoped3A_61 = tpu.sem_alloc : memref<!tpu.dma_semaphore, #tpu.memory_space<semaphore_mem>>
        %dma_start3A = arith.constant 0 : i32
        %dma_start3A_62 = arith.constant 0 : i32
        %dma_start3A_63 = tpu.memref_slice %arg11[%dma_start3A, %dma_start3A_62] : memref<10112x128xf32, #tpu.memory_space<vmem_shared>> -> memref<10112x128xf32, #tpu.memory_space<vmem_shared>>
        tpu.enqueue_indirect_dma source(%arg10 : memref<128x128xf32, #tpu.memory_space<vmem>>) target(%dma_start3A_63 : memref<10112x128xf32, #tpu.memory_space<vmem_shared>>) offsets(%arg9 : memref<128xi32, #tpu.memory_space<vmem>>) semaphore(%run_scoped3A_61 : memref<!tpu.dma_semaphore, #tpu.memory_space<semaphore_mem>>) {add = true}
        %dma_wait3A = arith.constant 0 : i32
        %dma_wait3A_64 = arith.constant 0 : i32
        %dma_wait3A_65 = tpu.memref_slice %arg11[%dma_wait3A, %dma_wait3A_64] : memref<10112x128xf32, #tpu.memory_space<vmem_shared>> -> memref<10112x128xf32, #tpu.memory_space<vmem_shared>>
        tpu.wait_indirect_dma semaphore(%run_scoped3A_61 : memref<!tpu.dma_semaphore, #tpu.memory_space<semaphore_mem>>) src(%arg10 : memref<128x128xf32, #tpu.memory_space<vmem>>) dst(%dma_wait3A_65 : memref<10112x128xf32, #tpu.memory_space<vmem_shared>>)
        tpu.yield
      }) : () -> ()
      %mul3A_46 = arith.constant 8 : i32
      %mul3A_47 = arith.muli %arg1, %mul3A_46 : i32
      %add3A_48 = arith.constant 5 : i32
      %add3A_49 = arith.addi %mul3A_47, %add3A_48 : i32
      "tpu.region"() ({
        %run_scoped3A_61 = tpu.sem_alloc : memref<!tpu.dma_semaphore, #tpu.memory_space<semaphore_mem>>
        %dma_start3A = arith.constant 0 : i32
        %dma_start3A_62 = tpu.memref_slice %arg8[%add3A_49, %dma_start3A] : memref<128x128xi32, #tpu.memory_space<vmem_shared>> -> memref<1x128xi32, #tpu.memory_space<vmem_shared>>
        %dma_start3A_63 = tpu.memref_squeeze %dma_start3A_62 : memref<1x128xi32, #tpu.memory_space<vmem_shared>> -> memref<128xi32, #tpu.memory_space<vmem_shared>>
        %dma_start3A_64 = arith.constant 0 : i32
        %dma_start3A_65 = tpu.memref_slice %arg8[%add3A_49, %dma_start3A_64] : memref<128x128xi32, #tpu.memory_space<vmem_shared>> -> memref<1x128xi32, #tpu.memory_space<vmem_shared>>
        %dma_start3A_66 = tpu.memref_squeeze %dma_start3A_65 : memref<1x128xi32, #tpu.memory_space<vmem_shared>> -> memref<128xi32, #tpu.memory_space<vmem_shared>>
        tpu.enqueue_dma source(%dma_start3A_66 : memref<128xi32, #tpu.memory_space<vmem_shared>>) target(%arg9 : memref<128xi32, #tpu.memory_space<vmem>>) target_semaphore(%run_scoped3A_61 : memref<!tpu.dma_semaphore, #tpu.memory_space<semaphore_mem>>)
        %dma_wait3A = arith.constant 0 : i32
        %dma_wait3A_67 = tpu.memref_slice %arg8[%add3A_49, %dma_wait3A] : memref<128x128xi32, #tpu.memory_space<vmem_shared>> -> memref<1x128xi32, #tpu.memory_space<vmem_shared>>
        %dma_wait3A_68 = tpu.memref_squeeze %dma_wait3A_67 : memref<1x128xi32, #tpu.memory_space<vmem_shared>> -> memref<128xi32, #tpu.memory_space<vmem_shared>>
        %dma_wait3A_69 = arith.constant 0 : i32
        %dma_wait3A_70 = tpu.memref_slice %arg8[%add3A_49, %dma_wait3A_69] : memref<128x128xi32, #tpu.memory_space<vmem_shared>> -> memref<1x128xi32, #tpu.memory_space<vmem_shared>>
        %dma_wait3A_71 = tpu.memref_squeeze %dma_wait3A_70 : memref<1x128xi32, #tpu.memory_space<vmem_shared>> -> memref<128xi32, #tpu.memory_space<vmem_shared>>
        tpu.wait_dma2 semaphore(%run_scoped3A_61 : memref<!tpu.dma_semaphore, #tpu.memory_space<semaphore_mem>>) src(%dma_wait3A_71 : memref<128xi32, #tpu.memory_space<vmem_shared>>) dst(%arg9 : memref<128xi32, #tpu.memory_space<vmem>>)
        tpu.yield
      }) : () -> ()
      %run_scoped3A_50 = arith.constant 5 : i32
      "tpu.region"() ({
        %run_scoped3A_61 = tpu.sem_alloc : memref<!tpu.dma_semaphore, #tpu.memory_space<semaphore_mem>>
        %dma_start3A = arith.constant 0 : i32
        %dma_start3A_62 = tpu.memref_slice %arg7[%run_scoped3A_50, %dma_start3A] : memref<8x128xi32, #tpu.memory_space<vmem>> -> memref<1x128xi32, #tpu.memory_space<vmem>>
        %dma_start3A_63 = tpu.memref_squeeze %dma_start3A_62 : memref<1x128xi32, #tpu.memory_space<vmem>> -> memref<128xi32, #tpu.memory_space<vmem>>
        %dma_start3A_64 = arith.constant 0 : i32
        %dma_start3A_65 = arith.constant 0 : i32
        %dma_start3A_66 = tpu.memref_slice %arg2[%dma_start3A_64, %dma_start3A_65] : memref<10112x128xf32, #tpu.memory_space<hbm>> -> memref<10112x128xf32, #tpu.memory_space<hbm>>
        tpu.enqueue_indirect_dma source(%dma_start3A_66 : memref<10112x128xf32, #tpu.memory_space<hbm>>) target(%arg10 : memref<128x128xf32, #tpu.memory_space<vmem>>) offsets(%dma_start3A_63 : memref<128xi32, #tpu.memory_space<vmem>>) semaphore(%run_scoped3A_61 : memref<!tpu.dma_semaphore, #tpu.memory_space<semaphore_mem>>)
        %dma_wait3A = arith.constant 0 : i32
        %dma_wait3A_67 = tpu.memref_slice %arg7[%run_scoped3A_50, %dma_wait3A] : memref<8x128xi32, #tpu.memory_space<vmem>> -> memref<1x128xi32, #tpu.memory_space<vmem>>
        %dma_wait3A_68 = tpu.memref_squeeze %dma_wait3A_67 : memref<1x128xi32, #tpu.memory_space<vmem>> -> memref<128xi32, #tpu.memory_space<vmem>>
        %dma_wait3A_69 = arith.constant 0 : i32
        %dma_wait3A_70 = arith.constant 0 : i32
        %dma_wait3A_71 = tpu.memref_slice %arg2[%dma_wait3A_69, %dma_wait3A_70] : memref<10112x128xf32, #tpu.memory_space<hbm>> -> memref<10112x128xf32, #tpu.memory_space<hbm>>
        tpu.wait_indirect_dma semaphore(%run_scoped3A_61 : memref<!tpu.dma_semaphore, #tpu.memory_space<semaphore_mem>>) src(%dma_wait3A_71 : memref<10112x128xf32, #tpu.memory_space<hbm>>) dst(%arg10 : memref<128x128xf32, #tpu.memory_space<vmem>>)
        tpu.yield
      }) : () -> ()
      "tpu.region"() ({
        %run_scoped3A_61 = tpu.sem_alloc : memref<!tpu.dma_semaphore, #tpu.memory_space<semaphore_mem>>
        %dma_start3A = arith.constant 0 : i32
        %dma_start3A_62 = arith.constant 0 : i32
        %dma_start3A_63 = tpu.memref_slice %arg11[%dma_start3A, %dma_start3A_62] : memref<10112x128xf32, #tpu.memory_space<vmem_shared>> -> memref<10112x128xf32, #tpu.memory_space<vmem_shared>>
        tpu.enqueue_indirect_dma source(%arg10 : memref<128x128xf32, #tpu.memory_space<vmem>>) target(%dma_start3A_63 : memref<10112x128xf32, #tpu.memory_space<vmem_shared>>) offsets(%arg9 : memref<128xi32, #tpu.memory_space<vmem>>) semaphore(%run_scoped3A_61 : memref<!tpu.dma_semaphore, #tpu.memory_space<semaphore_mem>>) {add = true}
        %dma_wait3A = arith.constant 0 : i32
        %dma_wait3A_64 = arith.constant 0 : i32
        %dma_wait3A_65 = tpu.memref_slice %arg11[%dma_wait3A, %dma_wait3A_64] : memref<10112x128xf32, #tpu.memory_space<vmem_shared>> -> memref<10112x128xf32, #tpu.memory_space<vmem_shared>>
        tpu.wait_indirect_dma semaphore(%run_scoped3A_61 : memref<!tpu.dma_semaphore, #tpu.memory_space<semaphore_mem>>) src(%arg10 : memref<128x128xf32, #tpu.memory_space<vmem>>) dst(%dma_wait3A_65 : memref<10112x128xf32, #tpu.memory_space<vmem_shared>>)
        tpu.yield
      }) : () -> ()
      %mul3A_51 = arith.constant 8 : i32
      %mul3A_52 = arith.muli %arg1, %mul3A_51 : i32
      %add3A_53 = arith.constant 6 : i32
      %add3A_54 = arith.addi %mul3A_52, %add3A_53 : i32
      "tpu.region"() ({
        %run_scoped3A_61 = tpu.sem_alloc : memref<!tpu.dma_semaphore, #tpu.memory_space<semaphore_mem>>
        %dma_start3A = arith.constant 0 : i32
        %dma_start3A_62 = tpu.memref_slice %arg8[%add3A_54, %dma_start3A] : memref<128x128xi32, #tpu.memory_space<vmem_shared>> -> memref<1x128xi32, #tpu.memory_space<vmem_shared>>
        %dma_start3A_63 = tpu.memref_squeeze %dma_start3A_62 : memref<1x128xi32, #tpu.memory_space<vmem_shared>> -> memref<128xi32, #tpu.memory_space<vmem_shared>>
        %dma_start3A_64 = arith.constant 0 : i32
        %dma_start3A_65 = tpu.memref_slice %arg8[%add3A_54, %dma_start3A_64] : memref<128x128xi32, #tpu.memory_space<vmem_shared>> -> memref<1x128xi32, #tpu.memory_space<vmem_shared>>
        %dma_start3A_66 = tpu.memref_squeeze %dma_start3A_65 : memref<1x128xi32, #tpu.memory_space<vmem_shared>> -> memref<128xi32, #tpu.memory_space<vmem_shared>>
        tpu.enqueue_dma source(%dma_start3A_66 : memref<128xi32, #tpu.memory_space<vmem_shared>>) target(%arg9 : memref<128xi32, #tpu.memory_space<vmem>>) target_semaphore(%run_scoped3A_61 : memref<!tpu.dma_semaphore, #tpu.memory_space<semaphore_mem>>)
        %dma_wait3A = arith.constant 0 : i32
        %dma_wait3A_67 = tpu.memref_slice %arg8[%add3A_54, %dma_wait3A] : memref<128x128xi32, #tpu.memory_space<vmem_shared>> -> memref<1x128xi32, #tpu.memory_space<vmem_shared>>
        %dma_wait3A_68 = tpu.memref_squeeze %dma_wait3A_67 : memref<1x128xi32, #tpu.memory_space<vmem_shared>> -> memref<128xi32, #tpu.memory_space<vmem_shared>>
        %dma_wait3A_69 = arith.constant 0 : i32
        %dma_wait3A_70 = tpu.memref_slice %arg8[%add3A_54, %dma_wait3A_69] : memref<128x128xi32, #tpu.memory_space<vmem_shared>> -> memref<1x128xi32, #tpu.memory_space<vmem_shared>>
        %dma_wait3A_71 = tpu.memref_squeeze %dma_wait3A_70 : memref<1x128xi32, #tpu.memory_space<vmem_shared>> -> memref<128xi32, #tpu.memory_space<vmem_shared>>
        tpu.wait_dma2 semaphore(%run_scoped3A_61 : memref<!tpu.dma_semaphore, #tpu.memory_space<semaphore_mem>>) src(%dma_wait3A_71 : memref<128xi32, #tpu.memory_space<vmem_shared>>) dst(%arg9 : memref<128xi32, #tpu.memory_space<vmem>>)
        tpu.yield
      }) : () -> ()
      %run_scoped3A_55 = arith.constant 6 : i32
      "tpu.region"() ({
        %run_scoped3A_61 = tpu.sem_alloc : memref<!tpu.dma_semaphore, #tpu.memory_space<semaphore_mem>>
        %dma_start3A = arith.constant 0 : i32
        %dma_start3A_62 = tpu.memref_slice %arg7[%run_scoped3A_55, %dma_start3A] : memref<8x128xi32, #tpu.memory_space<vmem>> -> memref<1x128xi32, #tpu.memory_space<vmem>>
        %dma_start3A_63 = tpu.memref_squeeze %dma_start3A_62 : memref<1x128xi32, #tpu.memory_space<vmem>> -> memref<128xi32, #tpu.memory_space<vmem>>
        %dma_start3A_64 = arith.constant 0 : i32
        %dma_start3A_65 = arith.constant 0 : i32
        %dma_start3A_66 = tpu.memref_slice %arg2[%dma_start3A_64, %dma_start3A_65] : memref<10112x128xf32, #tpu.memory_space<hbm>> -> memref<10112x128xf32, #tpu.memory_space<hbm>>
        tpu.enqueue_indirect_dma source(%dma_start3A_66 : memref<10112x128xf32, #tpu.memory_space<hbm>>) target(%arg10 : memref<128x128xf32, #tpu.memory_space<vmem>>) offsets(%dma_start3A_63 : memref<128xi32, #tpu.memory_space<vmem>>) semaphore(%run_scoped3A_61 : memref<!tpu.dma_semaphore, #tpu.memory_space<semaphore_mem>>)
        %dma_wait3A = arith.constant 0 : i32
        %dma_wait3A_67 = tpu.memref_slice %arg7[%run_scoped3A_55, %dma_wait3A] : memref<8x128xi32, #tpu.memory_space<vmem>> -> memref<1x128xi32, #tpu.memory_space<vmem>>
        %dma_wait3A_68 = tpu.memref_squeeze %dma_wait3A_67 : memref<1x128xi32, #tpu.memory_space<vmem>> -> memref<128xi32, #tpu.memory_space<vmem>>
        %dma_wait3A_69 = arith.constant 0 : i32
        %dma_wait3A_70 = arith.constant 0 : i32
        %dma_wait3A_71 = tpu.memref_slice %arg2[%dma_wait3A_69, %dma_wait3A_70] : memref<10112x128xf32, #tpu.memory_space<hbm>> -> memref<10112x128xf32, #tpu.memory_space<hbm>>
        tpu.wait_indirect_dma semaphore(%run_scoped3A_61 : memref<!tpu.dma_semaphore, #tpu.memory_space<semaphore_mem>>) src(%dma_wait3A_71 : memref<10112x128xf32, #tpu.memory_space<hbm>>) dst(%arg10 : memref<128x128xf32, #tpu.memory_space<vmem>>)
        tpu.yield
      }) : () -> ()
      "tpu.region"() ({
        %run_scoped3A_61 = tpu.sem_alloc : memref<!tpu.dma_semaphore, #tpu.memory_space<semaphore_mem>>
        %dma_start3A = arith.constant 0 : i32
        %dma_start3A_62 = arith.constant 0 : i32
        %dma_start3A_63 = tpu.memref_slice %arg11[%dma_start3A, %dma_start3A_62] : memref<10112x128xf32, #tpu.memory_space<vmem_shared>> -> memref<10112x128xf32, #tpu.memory_space<vmem_shared>>
        tpu.enqueue_indirect_dma source(%arg10 : memref<128x128xf32, #tpu.memory_space<vmem>>) target(%dma_start3A_63 : memref<10112x128xf32, #tpu.memory_space<vmem_shared>>) offsets(%arg9 : memref<128xi32, #tpu.memory_space<vmem>>) semaphore(%run_scoped3A_61 : memref<!tpu.dma_semaphore, #tpu.memory_space<semaphore_mem>>) {add = true}
        %dma_wait3A = arith.constant 0 : i32
        %dma_wait3A_64 = arith.constant 0 : i32
        %dma_wait3A_65 = tpu.memref_slice %arg11[%dma_wait3A, %dma_wait3A_64] : memref<10112x128xf32, #tpu.memory_space<vmem_shared>> -> memref<10112x128xf32, #tpu.memory_space<vmem_shared>>
        tpu.wait_indirect_dma semaphore(%run_scoped3A_61 : memref<!tpu.dma_semaphore, #tpu.memory_space<semaphore_mem>>) src(%arg10 : memref<128x128xf32, #tpu.memory_space<vmem>>) dst(%dma_wait3A_65 : memref<10112x128xf32, #tpu.memory_space<vmem_shared>>)
        tpu.yield
      }) : () -> ()
      %mul3A_56 = arith.constant 8 : i32
      %mul3A_57 = arith.muli %arg1, %mul3A_56 : i32
      %add3A_58 = arith.constant 7 : i32
      %add3A_59 = arith.addi %mul3A_57, %add3A_58 : i32
      "tpu.region"() ({
        %run_scoped3A_61 = tpu.sem_alloc : memref<!tpu.dma_semaphore, #tpu.memory_space<semaphore_mem>>
        %dma_start3A = arith.constant 0 : i32
        %dma_start3A_62 = tpu.memref_slice %arg8[%add3A_59, %dma_start3A] : memref<128x128xi32, #tpu.memory_space<vmem_shared>> -> memref<1x128xi32, #tpu.memory_space<vmem_shared>>
        %dma_start3A_63 = tpu.memref_squeeze %dma_start3A_62 : memref<1x128xi32, #tpu.memory_space<vmem_shared>> -> memref<128xi32, #tpu.memory_space<vmem_shared>>
        %dma_start3A_64 = arith.constant 0 : i32
        %dma_start3A_65 = tpu.memref_slice %arg8[%add3A_59, %dma_start3A_64] : memref<128x128xi32, #tpu.memory_space<vmem_shared>> -> memref<1x128xi32, #tpu.memory_space<vmem_shared>>
        %dma_start3A_66 = tpu.memref_squeeze %dma_start3A_65 : memref<1x128xi32, #tpu.memory_space<vmem_shared>> -> memref<128xi32, #tpu.memory_space<vmem_shared>>
        tpu.enqueue_dma source(%dma_start3A_66 : memref<128xi32, #tpu.memory_space<vmem_shared>>) target(%arg9 : memref<128xi32, #tpu.memory_space<vmem>>) target_semaphore(%run_scoped3A_61 : memref<!tpu.dma_semaphore, #tpu.memory_space<semaphore_mem>>)
        %dma_wait3A = arith.constant 0 : i32
        %dma_wait3A_67 = tpu.memref_slice %arg8[%add3A_59, %dma_wait3A] : memref<128x128xi32, #tpu.memory_space<vmem_shared>> -> memref<1x128xi32, #tpu.memory_space<vmem_shared>>
        %dma_wait3A_68 = tpu.memref_squeeze %dma_wait3A_67 : memref<1x128xi32, #tpu.memory_space<vmem_shared>> -> memref<128xi32, #tpu.memory_space<vmem_shared>>
        %dma_wait3A_69 = arith.constant 0 : i32
        %dma_wait3A_70 = tpu.memref_slice %arg8[%add3A_59, %dma_wait3A_69] : memref<128x128xi32, #tpu.memory_space<vmem_shared>> -> memref<1x128xi32, #tpu.memory_space<vmem_shared>>
        %dma_wait3A_71 = tpu.memref_squeeze %dma_wait3A_70 : memref<1x128xi32, #tpu.memory_space<vmem_shared>> -> memref<128xi32, #tpu.memory_space<vmem_shared>>
        tpu.wait_dma2 semaphore(%run_scoped3A_61 : memref<!tpu.dma_semaphore, #tpu.memory_space<semaphore_mem>>) src(%dma_wait3A_71 : memref<128xi32, #tpu.memory_space<vmem_shared>>) dst(%arg9 : memref<128xi32, #tpu.memory_space<vmem>>)
        tpu.yield
      }) : () -> ()
      %run_scoped3A_60 = arith.constant 7 : i32
      "tpu.region"() ({
        %run_scoped3A_61 = tpu.sem_alloc : memref<!tpu.dma_semaphore, #tpu.memory_space<semaphore_mem>>
        %dma_start3A = arith.constant 0 : i32
        %dma_start3A_62 = tpu.memref_slice %arg7[%run_scoped3A_60, %dma_start3A] : memref<8x128xi32, #tpu.memory_space<vmem>> -> memref<1x128xi32, #tpu.memory_space<vmem>>
        %dma_start3A_63 = tpu.memref_squeeze %dma_start3A_62 : memref<1x128xi32, #tpu.memory_space<vmem>> -> memref<128xi32, #tpu.memory_space<vmem>>
        %dma_start3A_64 = arith.constant 0 : i32
        %dma_start3A_65 = arith.constant 0 : i32
        %dma_start3A_66 = tpu.memref_slice %arg2[%dma_start3A_64, %dma_start3A_65] : memref<10112x128xf32, #tpu.memory_space<hbm>> -> memref<10112x128xf32, #tpu.memory_space<hbm>>
        tpu.enqueue_indirect_dma source(%dma_start3A_66 : memref<10112x128xf32, #tpu.memory_space<hbm>>) target(%arg10 : memref<128x128xf32, #tpu.memory_space<vmem>>) offsets(%dma_start3A_63 : memref<128xi32, #tpu.memory_space<vmem>>) semaphore(%run_scoped3A_61 : memref<!tpu.dma_semaphore, #tpu.memory_space<semaphore_mem>>)
        %dma_wait3A = arith.constant 0 : i32
        %dma_wait3A_67 = tpu.memref_slice %arg7[%run_scoped3A_60, %dma_wait3A] : memref<8x128xi32, #tpu.memory_space<vmem>> -> memref<1x128xi32, #tpu.memory_space<vmem>>
        %dma_wait3A_68 = tpu.memref_squeeze %dma_wait3A_67 : memref<1x128xi32, #tpu.memory_space<vmem>> -> memref<128xi32, #tpu.memory_space<vmem>>
        %dma_wait3A_69 = arith.constant 0 : i32
        %dma_wait3A_70 = arith.constant 0 : i32
        %dma_wait3A_71 = tpu.memref_slice %arg2[%dma_wait3A_69, %dma_wait3A_70] : memref<10112x128xf32, #tpu.memory_space<hbm>> -> memref<10112x128xf32, #tpu.memory_space<hbm>>
        tpu.wait_indirect_dma semaphore(%run_scoped3A_61 : memref<!tpu.dma_semaphore, #tpu.memory_space<semaphore_mem>>) src(%dma_wait3A_71 : memref<10112x128xf32, #tpu.memory_space<hbm>>) dst(%arg10 : memref<128x128xf32, #tpu.memory_space<vmem>>)
        tpu.yield
      }) : () -> ()
      "tpu.region"() ({
        %run_scoped3A_61 = tpu.sem_alloc : memref<!tpu.dma_semaphore, #tpu.memory_space<semaphore_mem>>
        %dma_start3A = arith.constant 0 : i32
        %dma_start3A_62 = arith.constant 0 : i32
        %dma_start3A_63 = tpu.memref_slice %arg11[%dma_start3A, %dma_start3A_62] : memref<10112x128xf32, #tpu.memory_space<vmem_shared>> -> memref<10112x128xf32, #tpu.memory_space<vmem_shared>>
        tpu.enqueue_indirect_dma source(%arg10 : memref<128x128xf32, #tpu.memory_space<vmem>>) target(%dma_start3A_63 : memref<10112x128xf32, #tpu.memory_space<vmem_shared>>) offsets(%arg9 : memref<128xi32, #tpu.memory_space<vmem>>) semaphore(%run_scoped3A_61 : memref<!tpu.dma_semaphore, #tpu.memory_space<semaphore_mem>>) {add = true}
        %dma_wait3A = arith.constant 0 : i32
        %dma_wait3A_64 = arith.constant 0 : i32
        %dma_wait3A_65 = tpu.memref_slice %arg11[%dma_wait3A, %dma_wait3A_64] : memref<10112x128xf32, #tpu.memory_space<vmem_shared>> -> memref<10112x128xf32, #tpu.memory_space<vmem_shared>>
        tpu.wait_indirect_dma semaphore(%run_scoped3A_61 : memref<!tpu.dma_semaphore, #tpu.memory_space<semaphore_mem>>) src(%arg10 : memref<128x128xf32, #tpu.memory_space<vmem>>) dst(%dma_wait3A_65 : memref<10112x128xf32, #tpu.memory_space<vmem_shared>>)
        tpu.yield
      }) : () -> ()
    }
    %scan3A_11 = arith.constant 10 : i32
    %barrier3A_12 = arith.constant 0 : index
    tpu.barrier barrier_id(%barrier3A_12)
    "tpu.region"() ({
      %run_scoped3A = tpu.sem_alloc : memref<!tpu.dma_semaphore, #tpu.memory_space<semaphore_mem>>
      %dma_start3A = arith.constant 0 : i32
      %dma_start3A_13 = tpu.memref_slice %arg6[%arg0, %mul3A_0, %dma_start3A] : memref<2x10112x128xf32, #tpu.memory_space<hbm>> -> memref<1x632x128xf32, #tpu.memory_space<hbm>>
      %dma_start3A_14 = tpu.memref_squeeze %dma_start3A_13 : memref<1x632x128xf32, #tpu.memory_space<hbm>> -> memref<632x128xf32, #tpu.memory_space<hbm>>
      %dma_start3A_15 = arith.constant 0 : i32
      %dma_start3A_16 = tpu.memref_slice %arg11[%mul3A_0, %dma_start3A_15] : memref<10112x128xf32, #tpu.memory_space<vmem_shared>> -> memref<632x128xf32, #tpu.memory_space<vmem_shared>>
      tpu.enqueue_dma source(%dma_start3A_16 : memref<632x128xf32, #tpu.memory_space<vmem_shared>>) target(%dma_start3A_14 : memref<632x128xf32, #tpu.memory_space<hbm>>) target_semaphore(%run_scoped3A : memref<!tpu.dma_semaphore, #tpu.memory_space<semaphore_mem>>)
      %dma_wait3A = arith.constant 0 : i32
      %dma_wait3A_17 = tpu.memref_slice %arg6[%arg0, %mul3A_0, %dma_wait3A] : memref<2x10112x128xf32, #tpu.memory_space<hbm>> -> memref<1x632x128xf32, #tpu.memory_space<hbm>>
      %dma_wait3A_18 = tpu.memref_squeeze %dma_wait3A_17 : memref<1x632x128xf32, #tpu.memory_space<hbm>> -> memref<632x128xf32, #tpu.memory_space<hbm>>
      %dma_wait3A_19 = arith.constant 0 : i32
      %dma_wait3A_20 = tpu.memref_slice %arg11[%mul3A_0, %dma_wait3A_19] : memref<10112x128xf32, #tpu.memory_space<vmem_shared>> -> memref<632x128xf32, #tpu.memory_space<vmem_shared>>
      tpu.wait_dma2 semaphore(%run_scoped3A : memref<!tpu.dma_semaphore, #tpu.memory_space<semaphore_mem>>) src(%dma_wait3A_20 : memref<632x128xf32, #tpu.memory_space<vmem_shared>>) dst(%dma_wait3A_18 : memref<632x128xf32, #tpu.memory_space<hbm>>)
      tpu.yield
    }) : () -> ()
    return
  }
}

module attributes {stable_mosaic.version = 14 : i64} {
  func.func @_prep_body(%arg0: memref<10112x128xf32, #tpu.memory_space<vmem>>, %arg1: memref<2x10112x16xf32, #tpu.memory_space<vmem>>, %arg2: memref<10112x128xf32, #tpu.memory_space<vmem>>) attributes {dimension_semantics = [], scalar_prefetch = 0 : i64, scratch_operands = 0 : i64, tpu.core_type = #tpu.core_type<tc>} {
    %get3A = arith.constant 0 : index
    %get3A_0 = arith.constant 0 : index
    %get3A_1 = arith.constant 0 : index
    %get3A_2 = vector.load %arg1[%get3A, %get3A_0, %get3A_1] : memref<2x10112x16xf32, #tpu.memory_space<vmem>>, vector<1x10112x16xf32>
    %get3A_3 = vector.shape_cast %get3A_2 : vector<1x10112x16xf32> to vector<10112x16xf32>
    %get3A_4 = arith.constant 1 : index
    %get3A_5 = arith.constant 0 : index
    %get3A_6 = arith.constant 0 : index
    %get3A_7 = vector.load %arg1[%get3A_4, %get3A_5, %get3A_6] : memref<2x10112x16xf32, #tpu.memory_space<vmem>>, vector<1x10112x16xf32>
    %get3A_8 = vector.shape_cast %get3A_7 : vector<1x10112x16xf32> to vector<10112x16xf32>
    %add3A = arith.addf %get3A_3, %get3A_8 : vector<10112x16xf32>
    %add3A_9 = arith.constant 1.000000e+00 : f32
    %add3A_10 = vector.broadcast %add3A_9 : f32 to vector<10112x16xf32>
    %add3A_11 = arith.addf %add3A, %add3A_10 : vector<10112x16xf32>
    %rsqrt3A = math.rsqrt %add3A_11 : vector<10112x16xf32>
    %iota3A = tpu.iota {dimensions = array<i32: 0>} : vector<10112x1xi32>
    %lt3A = arith.constant 10000 : i32
    %lt3A_12 = vector.broadcast %lt3A : i32 to vector<10112x1xi32>
    %lt3A_13 = arith.cmpi slt, %iota3A, %lt3A_12 : vector<10112x1xi32>
    %slice3A = vector.extract_strided_slice %rsqrt3A {offsets = [0, 0], sizes = [10112, 1], strides = [1, 1]} : vector<10112x16xf32> to vector<10112x1xf32>
    %jit3A = arith.constant 0.000000e+00 : f32
    %broadcast_in_dim3A = vector.broadcast %jit3A : f32 to vector<10112x1xf32>
    %select_n3A = arith.select %lt3A_13, %slice3A, %broadcast_in_dim3A : vector<10112x1xi1>, vector<10112x1xf32>
    %get3A_14 = arith.constant 0 : index
    %get3A_15 = arith.constant 0 : index
    %get3A_16 = vector.load %arg0[%get3A_14, %get3A_15] : memref<10112x128xf32, #tpu.memory_space<vmem>>, vector<10112x128xf32>
    %mul3A = vector.broadcast %select_n3A : vector<10112x1xf32> to vector<10112x128xf32>
    %mul3A_17 = arith.mulf %get3A_16, %mul3A : vector<10112x128xf32>
    %swap3A = arith.constant 0 : index
    %swap3A_18 = arith.constant 0 : index
    %swap3A_19 = vector.load %arg2[%swap3A, %swap3A_18] : memref<10112x128xf32, #tpu.memory_space<vmem>>, vector<10112x128xf32>
    tpu.vector_store %arg2[%swap3A, %swap3A_18], %mul3A_17 {strides = array<i32>} : memref<10112x128xf32, #tpu.memory_space<vmem>>, vector<10112x128xf32>,
    return
  }
}

module attributes {stable_mosaic.version = 14 : i64} {
  func.func @_finish_body(%arg0: i32, %arg1: memref<2x1000x128xf32, #tpu.memory_space<vmem>>, %arg2: memref<1000x128xf32, #tpu.memory_space<vmem>>, %arg3: memref<2x1000x16xf32, #tpu.memory_space<vmem>>, %arg4: memref<128x128xf32, #tpu.memory_space<vmem>>, %arg5: memref<1x128xf32, #tpu.memory_space<vmem>>, %arg6: memref<1024x128xf32, #tpu.memory_space<vmem>>, %arg7: memref<1x1024xf32, #tpu.memory_space<vmem>>, %arg8: memref<1024x128xf32, #tpu.memory_space<vmem>>) attributes {dimension_semantics = [#tpu.dimension_semantics<arbitrary>], iteration_bounds = array<i64: 10>, scalar_prefetch = 0 : i64, scratch_operands = 0 : i64, tpu.core_type = #tpu.core_type<tc>, window_params = [{transform_indices = @transform_0, window_bounds = array<i64: 2, 1000, 128>}, {transform_indices = @transform_1, window_bounds = array<i64: 1000, 128>}, {transform_indices = @transform_2, window_bounds = array<i64: 2, 1000, 16>}, {pipeline_mode = #tpu.pipeline_mode<synchronous>, transform_indices = @transform_3, window_bounds = array<i64: 128, 128>}, {pipeline_mode = #tpu.pipeline_mode<synchronous>, transform_indices = @transform_4, window_bounds = array<i64: 1, 128>}, {pipeline_mode = #tpu.pipeline_mode<synchronous>, transform_indices = @transform_5, window_bounds = array<i64: 1024, 128>}, {pipeline_mode = #tpu.pipeline_mode<synchronous>, transform_indices = @transform_6, window_bounds = array<i64: 1, 1024>}, {pipeline_mode = #tpu.pipeline_mode<synchronous>, transform_indices = @transform_7, window_bounds = array<i64: 1024, 128>}]} {
    %get3A = arith.constant 0 : index
    %get3A_0 = arith.constant 0 : index
    %get3A_1 = arith.constant 0 : index
    %get3A_2 = vector.load %arg3[%get3A, %get3A_0, %get3A_1] : memref<2x1000x16xf32, #tpu.memory_space<vmem>>, vector<1x1000x1xf32>
    %get3A_3 = vector.shape_cast %get3A_2 : vector<1x1000x1xf32> to vector<1000x1xf32>
    %get3A_4 = arith.constant 1 : index
    %get3A_5 = arith.constant 0 : index
    %get3A_6 = arith.constant 0 : index
    %get3A_7 = vector.load %arg3[%get3A_4, %get3A_5, %get3A_6] : memref<2x1000x16xf32, #tpu.memory_space<vmem>>, vector<1x1000x1xf32>
    %get3A_8 = vector.shape_cast %get3A_7 : vector<1x1000x1xf32> to vector<1000x1xf32>
    %add3A = arith.addf %get3A_3, %get3A_8 : vector<1000x1xf32>
    %add3A_9 = arith.constant 1.000000e+00 : f32
    %add3A_10 = vector.broadcast %add3A_9 : f32 to vector<1000x1xf32>
    %add3A_11 = arith.addf %add3A, %add3A_10 : vector<1000x1xf32>
    %rsqrt3A = math.rsqrt %add3A_11 : vector<1000x1xf32>
    %div3A = arith.constant 1.000000e+00 : f32
    %div3A_12 = vector.broadcast %div3A : f32 to vector<1000x1xf32>
    %div3A_13 = arith.divf %div3A_12, %add3A_11 : vector<1000x1xf32>
    %get3A_14 = arith.constant 0 : index
    %get3A_15 = arith.constant 0 : index
    %get3A_16 = arith.constant 0 : index
    %get3A_17 = vector.load %arg1[%get3A_14, %get3A_15, %get3A_16] : memref<2x1000x128xf32, #tpu.memory_space<vmem>>, vector<1x1000x128xf32>
    %get3A_18 = vector.shape_cast %get3A_17 : vector<1x1000x128xf32> to vector<1000x128xf32>
    %get3A_19 = arith.constant 1 : index
    %get3A_20 = arith.constant 0 : index
    %get3A_21 = arith.constant 0 : index
    %get3A_22 = vector.load %arg1[%get3A_19, %get3A_20, %get3A_21] : memref<2x1000x128xf32, #tpu.memory_space<vmem>>, vector<1x1000x128xf32>
    %get3A_23 = vector.shape_cast %get3A_22 : vector<1x1000x128xf32> to vector<1000x128xf32>
    %add3A_24 = arith.addf %get3A_18, %get3A_23 : vector<1000x128xf32>
    %mul3A = vector.broadcast %rsqrt3A : vector<1000x1xf32> to vector<1000x128xf32>
    %mul3A_25 = arith.mulf %mul3A, %add3A_24 : vector<1000x128xf32>
    %get3A_26 = arith.constant 0 : index
    %get3A_27 = arith.constant 0 : index
    %get3A_28 = vector.load %arg2[%get3A_26, %get3A_27] : memref<1000x128xf32, #tpu.memory_space<vmem>>, vector<1000x128xf32>
    %mul3A_29 = vector.broadcast %div3A_13 : vector<1000x1xf32> to vector<1000x128xf32>
    %mul3A_30 = arith.mulf %get3A_28, %mul3A_29 : vector<1000x128xf32>
    %add3A_31 = arith.addf %mul3A_25, %mul3A_30 : vector<1000x128xf32>
    %get3A_32 = arith.constant 0 : index
    %get3A_33 = arith.constant 0 : index
    %get3A_34 = vector.load %arg4[%get3A_32, %get3A_33] : memref<128x128xf32, #tpu.memory_space<vmem>>, vector<128x128xf32>
    %dot_general3A = arith.constant dense<0.000000e+00> : vector<1000x128xf32>
    %dot_general3A_35 = tpu.matmul %add3A_31, %get3A_34, %dot_general3A {dimension_numbers = #tpu.dot_dimension_numbers<[1], [1], [0], [0], [0, 0, 1, 0], [], []>, transpose_lhs_hint = false} : vector<1000x128xf32>, vector<128x128xf32>, vector<1000x128xf32> -> vector<1000x128xf32>
    %get3A_36 = arith.constant 0 : index
    %get3A_37 = arith.constant 0 : index
    %get3A_38 = vector.load %arg5[%get3A_36, %get3A_37] : memref<1x128xf32, #tpu.memory_space<vmem>>, vector<1x128xf32>
    %add3A_39 = vector.broadcast %get3A_38 : vector<1x128xf32> to vector<1000x128xf32>
    %add3A_40 = arith.addf %dot_general3A_35, %add3A_39 : vector<1000x128xf32>
    %get3A_41 = arith.constant 0 : index
    %get3A_42 = arith.constant 0 : index
    %get3A_43 = vector.load %arg6[%get3A_41, %get3A_42] : memref<1024x128xf32, #tpu.memory_space<vmem>>, vector<1024x128xf32>
    %dot_general3A_44 = arith.constant dense<0.000000e+00> : vector<1000x1024xf32>
    %dot_general3A_45 = tpu.matmul %add3A_31, %get3A_43, %dot_general3A_44 {dimension_numbers = #tpu.dot_dimension_numbers<[1], [1], [0], [0], [0, 0, 1, 0], [], []>, transpose_lhs_hint = false} : vector<1000x128xf32>, vector<1024x128xf32>, vector<1000x1024xf32> -> vector<1000x1024xf32>
    %get3A_46 = arith.constant 0 : index
    %get3A_47 = arith.constant 0 : index
    %get3A_48 = vector.load %arg7[%get3A_46, %get3A_47] : memref<1x1024xf32, #tpu.memory_space<vmem>>, vector<1x1024xf32>
    %add3A_49 = vector.broadcast %get3A_48 : vector<1x1024xf32> to vector<1000x1024xf32>
    %add3A_50 = arith.addf %dot_general3A_45, %add3A_49 : vector<1000x1024xf32>
    %reduce_max3A = arith.constant dense<0xFF800000> : vector<1000xf32>
    %reduce_max3A_51 = vector.multi_reduction <maximumf>, %add3A_50, %reduce_max3A [1] : vector<1000x1024xf32> to vector<1000xf32>
    %broadcast_in_dim3A = vector.shape_cast %reduce_max3A_51 : vector<1000xf32> to vector<1000x1xf32>
    %sub3A = vector.broadcast %broadcast_in_dim3A : vector<1000x1xf32> to vector<1000x1024xf32>
    %sub3A_52 = arith.subf %add3A_50, %sub3A : vector<1000x1024xf32>
    %exp3A = math.exp %sub3A_52 : vector<1000x1024xf32>
    %reduce_sum3A = arith.constant dense<0.000000e+00> : vector<1000xf32>
    %reduce_sum3A_53 = vector.multi_reduction <add>, %exp3A, %reduce_sum3A [1] : vector<1000x1024xf32> to vector<1000xf32>
    %broadcast_in_dim3A_54 = vector.shape_cast %reduce_sum3A_53 : vector<1000xf32> to vector<1000x1xf32>
    %div3A_55 = vector.broadcast %broadcast_in_dim3A_54 : vector<1000x1xf32> to vector<1000x1024xf32>
    %div3A_56 = arith.divf %exp3A, %div3A_55 : vector<1000x1024xf32>
    %dot_general3A_57 = arith.constant dense<0.000000e+00> : vector<1024x128xf32>
    %dot_general3A_58 = tpu.matmul %div3A_56, %add3A_40, %dot_general3A_57 {dimension_numbers = #tpu.dot_dimension_numbers<[0], [0], [1], [1], [0, 1, 1, 1], [], []>, transpose_lhs_hint = false} : vector<1000x1024xf32>, vector<1000x128xf32>, vector<1024x128xf32> -> vector<1024x128xf32>
    %eq3A = arith.constant 0 : i32
    %eq3A_59 = arith.cmpi eq, %arg0, %eq3A : i32
    %convert_element_type3A = arith.extui %eq3A_59 : i1 to i32
    %cond3A = arith.constant 0 : i32
    %cond3A_60 = arith.cmpi ne, %convert_element_type3A, %cond3A : i32
    scf.if %cond3A_60 {
      %swap3A = arith.constant 0 : index
      %swap3A_65 = arith.constant 0 : index
      %swap3A_66 = vector.load %arg8[%swap3A, %swap3A_65] : memref<1024x128xf32, #tpu.memory_space<vmem>>, vector<1024x128xf32>
      tpu.vector_store %arg8[%swap3A, %swap3A_65], %dot_general3A_58 {strides = array<i32>} : memref<1024x128xf32, #tpu.memory_space<vmem>>, vector<1024x128xf32>,
    } else {
    }
    %gt3A = arith.constant 0 : i32
    %gt3A_61 = arith.cmpi sgt, %arg0, %gt3A : i32
    %convert_element_type3A_62 = arith.extui %gt3A_61 : i1 to i32
    %cond3A_63 = arith.constant 0 : i32
    %cond3A_64 = arith.cmpi ne, %convert_element_type3A_62, %cond3A_63 : i32
    scf.if %cond3A_64 {
      %get3A_65 = arith.constant 0 : index
      %get3A_66 = arith.constant 0 : index
      %get3A_67 = vector.load %arg8[%get3A_65, %get3A_66] : memref<1024x128xf32, #tpu.memory_space<vmem>>, vector<1024x128xf32>
      %add3A_68 = arith.addf %get3A_67, %dot_general3A_58 : vector<1024x128xf32>
      %swap3A = arith.constant 0 : index
      %swap3A_69 = arith.constant 0 : index
      %swap3A_70 = vector.load %arg8[%swap3A, %swap3A_69] : memref<1024x128xf32, #tpu.memory_space<vmem>>, vector<1024x128xf32>
      tpu.vector_store %arg8[%swap3A, %swap3A_69], %add3A_68 {strides = array<i32>} : memref<1024x128xf32, #tpu.memory_space<vmem>>, vector<1024x128xf32>,
    } else {
    }
    return
  }
  func.func @transform_0(%arg0: i32) -> (i32, i32, i32) {
    %c0_i32 = arith.constant 0 : i32
    %c0_i32_0 = arith.constant 0 : i32
    %c0_i32_1 = arith.constant 0 : i32
    return %c0_i32, %arg0, %c0_i32_0 : i32, i32, i32
  }
  func.func @transform_1(%arg0: i32) -> (i32, i32) {
    %c0_i32 = arith.constant 0 : i32
    %c0_i32_0 = arith.constant 0 : i32
    return %arg0, %c0_i32 : i32, i32
  }
  func.func @transform_2(%arg0: i32) -> (i32, i32, i32) {
    %c0_i32 = arith.constant 0 : i32
    %c0_i32_0 = arith.constant 0 : i32
    %c0_i32_1 = arith.constant 0 : i32
    return %c0_i32, %arg0, %c0_i32_0 : i32, i32, i32
  }
  func.func @transform_3(%arg0: i32) -> (i32, i32) {
    %c0_i32 = arith.constant 0 : i32
    %c0_i32_0 = arith.constant 0 : i32
    %c0_i32_1 = arith.constant 0 : i32
    return %c0_i32, %c0_i32_0 : i32, i32
  }
  func.func @transform_4(%arg0: i32) -> (i32, i32) {
    %c0_i32 = arith.constant 0 : i32
    %c0_i32_0 = arith.constant 0 : i32
    %c0_i32_1 = arith.constant 0 : i32
    return %c0_i32, %c0_i32_0 : i32, i32
  }
  func.func @transform_5(%arg0: i32) -> (i32, i32) {
    %c0_i32 = arith.constant 0 : i32
    %c0_i32_0 = arith.constant 0 : i32
    %c0_i32_1 = arith.constant 0 : i32
    return %c0_i32, %c0_i32_0 : i32, i32
  }
  func.func @transform_6(%arg0: i32) -> (i32, i32) {
    %c0_i32 = arith.constant 0 : i32
    %c0_i32_0 = arith.constant 0 : i32
    %c0_i32_1 = arith.constant 0 : i32
    return %c0_i32, %c0_i32_0 : i32, i32
  }
  func.func @transform_7(%arg0: i32) -> (i32, i32) {
    %c0_i32 = arith.constant 0 : i32
    %c0_i32_0 = arith.constant 0 : i32
    %c0_i32_1 = arith.constant 0 : i32
    return %c0_i32, %c0_i32_0 : i32, i32
  }
}

</mosaic_0001>

<sc_bundles>
// kernel: kernel.6.cloned.1.call-start
scs
__scs_entry_jumppad:
0x0: {  	(pc) =	sbr.rel $0x88, $3  }
0x1: {  	(tag) =	ssettag $0x0;
	lr =	simm.s32 $0x1  }
0x2: {  	[smem:$0x3F9B] =	sst lr;
	_ =	strace $0xD0000000  }
0x3: {  	_ = 	snop  }
0x4: {  	_ = 	snop  }
0x5: {  	_ = 	snop  }
0x6: {  	_ = 	snop  }
0x7: {  	_ = 	snop  }
__scs_overlays_trampoline_lowered:
0x8: {  	[smem:$0x3FAA] =	sst s0  }
0x9: {  	[smem:$0x3FAB] =	sst s1  }
0xa: {  	[smem:$0x3FAC] =	sst s2  }
0xb: {  	[smem:$0x3FAD] =	sst s3  }
0xc: {  	[smem:$0x3FAE] =	sst s4  }
0xd: {  	[smem:$0x3FAF] =	sst s5  }
0xe: {  	[smem:$0x3FB0] =	sst s6  }
0xf: {  	[smem:$0x3FB1] =	sst s7  }
0x10: {  	[smem:$0x3FB2] =	sst s8  }
0x11: {  	[smem:$0x3FB3] =	sst s9;
	s0 =	simm.s32 @!p0 $0x0  }
0x12: {  	s1 =	sld [smem:$0x3F99];
	s0 =	simm.s32 @p0 $0x1  }
0x13: {  	[smem:$0x3FB4] =	sst s0;
	s0 =	simm.s32 @!p1 $0x0  }
0x14: {  	s2 =	sld [smem:$0x3F98];
	s0 =	simm.s32 @p1 $0x1  }
0x15: {  	[smem:$0x3FB5] =	sst s0;
	s0 =	simm.s32 @!p2 $0x0  }
0x16: {  	s3 =	sld [smem:$0x3FDB];
	s0 =	simm.s32 @p2 $0x1  }
0x17: {  	s4 =	simm.s32 $0x1BF5;
	[smem:$0x3FB7] =	sst s0  }
0x18: {  	s0 =	sld [smem:$0x3F9A];
	_ =	swait.ge [sflag:s4], $0x0  }
0x19: {  	s7 =	sld [smem:$0x3F9B]  }
0x1a: {  	s8 =	sadd.s32 $0xFFFFE003, lr  }
0x1b: {  	s9 =	sadd.s32 $0xFFFFFEF7, lr;
	s5 =	simm.s32 $0xFFFFFFFF;
	p2 =	slt.u32 s8, $0xFFFFF086  }
0x1c: {  	p1 =	slt.u32 s9, $0xF7A;
	s5 =	simm.s32 @!p2 $0x0  }
0x1d: {  	s5 =	simm.s32 @p1 $0x1;
	p0 =	seq.s32 s7, s2  }
0x1e: {  	s7 =	smul.u32 @!p0 $0xF7A, s2;
	p2 =	seq.s32 @!p0 s5, $0x0  }
0x1f: {  	s9 =	smul.u32 $0xF7A, s1;
	s8 =	simm.s32 @!p0 $0x1BF5;
	p2 =	por !p2, p0  }
0x20: {  	[sflag:s8] =	ssyncset.s32 @!p0 $0xFFFFF086;
	s6 =	sadd.s32 @!p0 s3, s7;
	s7 =	simm.s32 @!p0 $0x108  }
0x21: {  	s3 =	sadd.s32 s3, s9;
	s6 =	sadd.s32 @!p0 $0x88, s6;
	s7 =	simm.s32 @p2 $0x1082  }
0x22: {  	[simem:s7], [sflag:s8] =	dma.local @!p0 [hbm:s6], $0xF7A  }
0x23: {  	s9 =	sor.u32 $0xD0000000, s2;
	s6 =	simm.s32 $0x108;
	_ =	swait.ge @!p0 [sflag:s8], $0x0  }
0x24: {  	s3 =	sadd.s32 $0x88, s3;
	s6 =	simm.s32 @!p1 $0x1082;
	[sflag:s4] =	ssyncset.s32 $0xFFFFF086  }
0x25: {  	[simem:s6], [sflag:s4] =	dma.local [hbm:s3], $0xF7A  }
0x26: {  	[smem:$0x3F9B] =	sst s1;
	(tag) =	ssettag s2;
	_ =	strace s9  }
0x27: {  	s1 =	sld [smem:$0x3FAB]  }
0x28: {  	s2 =	sld [smem:$0x3FAC]  }
0x29: {  	s4 =	sld [smem:$0x3FAE]  }
0x2a: {  	p0 =	seq.s32 s5, $0x0;
	s5 =	sld [smem:$0x3FAF]  }
0x2b: {  	s6 =	sld [smem:$0x3FB0]  }
0x2c: {  	s7 =	sld [smem:$0x3FB1]  }
0x2d: {  	s3 =	simm.s32 $0x108;
	s8 =	sld [smem:$0x3FB2]  }
0x2e: {  	s3 =	simm.s32 @!p0 $0x1082;
	s9 =	sld [smem:$0x3FB3]  }
0x2f: {  	lr =	sadd.s32 s0, s3;
	s0 =	sld [smem:$0x3FAA]  }
0x30: {  	s3 =	sld [smem:$0x3FAD]  }
0x31: {  	[smem:$0x3FB6] =	sst s10  }
0x32: {  	s10 =	sld [smem:$0x3FB4];
	_ =	sdelay $0x3  }
0x33: {  	p0 =	seq.s32 s10, $0x1;
	s10 =	sld [smem:$0x3FB6];
	_ =	sdelay $0x3  }
0x34: {  	[smem:$0x3FB6] =	sst s10  }
0x35: {  	s10 =	sld [smem:$0x3FB5];
	_ =	sdelay $0x3  }
0x36: {  	p1 =	seq.s32 s10, $0x1;
	s10 =	sld [smem:$0x3FB6];
	_ =	sdelay $0x3  }
0x37: {  	[smem:$0x3FB6] =	sst s10  }
0x38: {  	s10 =	sld [smem:$0x3FB7]  }
0x39: {  	_ = 	snop;
	(pc) =	sbr.ind lr, $3  }
0x3a: {  	_ = 	snop  }
0x3b: {  	_ = 	snop  }
0x3c: {  	p2 =	seq.s32 s10, $0x1;
	s10 =	sld [smem:$0x3FB6]  }
0x3d: {  	_ =	shalt  }
0x3e: {  	_ =	shalt  }
0x3f: {  	_ =	shalt  }
0x40: {  	_ =	shalt  }
0x41: {  	_ =	shalt  }
0x42: {  	_ =	shalt  }
0x43: {  	_ =	shalt  }
0x44: {  	_ =	shalt  }
0x45: {  	_ =	shalt  }
0x46: {  	_ =	shalt  }
0x47: {  	_ =	shalt  }
0x48: {  	_ =	shalt  }
0x49: {  	_ =	shalt  }
0x4a: {  	_ =	shalt  }
0x4b: {  	_ =	shalt  }
0x4c: {  	_ =	shalt  }
0x4d: {  	_ =	shalt  }
0x4e: {  	_ =	shalt  }
0x4f: {  	_ =	shalt  }
0x50: {  	_ =	shalt  }
0x51: {  	_ =	shalt  }
0x52: {  	_ =	shalt  }
0x53: {  	_ =	shalt  }
0x54: {  	_ =	shalt  }
0x55: {  	_ =	shalt  }
0x56: {  	_ =	shalt  }
0x57: {  	_ =	shalt  }
0x58: {  	_ =	shalt  }
0x59: {  	_ =	shalt  }
0x5a: {  	_ =	shalt  }
0x5b: {  	_ =	shalt  }
0x5c: {  	_ =	shalt  }
0x5d: {  	_ =	shalt  }
0x5e: {  	_ =	shalt  }
0x5f: {  	_ =	shalt  }
0x60: {  	_ =	shalt  }
0x61: {  	_ =	shalt  }
0x62: {  	_ =	shalt  }
0x63: {  	_ =	shalt  }
0x64: {  	_ =	shalt  }
0x65: {  	_ =	shalt  }
0x66: {  	_ =	shalt  }
0x67: {  	_ =	shalt  }
0x68: {  	_ =	shalt  }
0x69: {  	_ =	shalt  }
0x6a: {  	_ =	shalt  }
0x6b: {  	_ =	shalt  }
0x6c: {  	_ =	shalt  }
0x6d: {  	_ =	shalt  }
0x6e: {  	_ =	shalt  }
0x6f: {  	_ =	shalt  }
0x70: {  	_ =	shalt  }
0x71: {  	_ =	shalt  }
0x72: {  	_ =	shalt  }
0x73: {  	_ =	shalt  }
0x74: {  	_ =	shalt  }
0x75: {  	_ =	shalt  }
0x76: {  	_ =	shalt  }
0x77: {  	_ =	shalt  }
0x78: {  	_ =	shalt  }
0x79: {  	_ =	shalt  }
0x7a: {  	_ =	shalt  }
0x7b: {  	_ =	shalt  }
0x7c: {  	_ =	shalt  }
0x7d: {  	_ =	shalt  }
0x7e: {  	_ =	shalt  }
0x7f: {  	_ =	shalt  }
0x80: {  	_ =	shalt  }
0x81: {  	_ =	shalt  }
0x82: {  	_ =	shalt  }
0x83: {  	_ =	shalt  }
0x84: {  	_ =	shalt  }
0x85: {  	_ =	shalt  }
0x86: {  	_ =	shalt  }
0x87: {  	_ =	shalt  }
.Lfunc_end0:
.L_simem_size_0:
called_computation_lowered:
.L_overlay_start_0:
0x88: {  	s2 =	sld [smem:$0x3FD9]  }
0x89: {  	s3 =	sld [smem:$0x3FFE];
	_ =	sdelay $0x1  }
0x8a: {  	s1 =	srdreg.scid  }
0x8b: {  	s0 =	sand.u32 $0x1, s1  }
0x8c: {  	s14 =	sshll.u32 s0, $0xA;
	s2 =	sadd.s32 s3, s2  }
0x8d: {  	s2 =	sadd.s32 s2, s14  }
0x8e: {  	[smem:$0x3FC2] =	sst s2  }
0x8f: {  	_ = 	snop  }
0x90: {  	s2 =	sld [smem:$0x3FD0];
	_ =	sdelay $0x2  }
0x91: {  	s15 =	simm.s32 $0xA;
	s4 =	simm.s32 $0x10  }
0x92: {  	[smem:s4], [sflag:s15] =	dma.local [hbm:s2], $0x1  }
0x93: {  	_ =	swait.eq [sflag:s15], $0x1  }
0x94: {  	[sflag:s15] =	ssyncset.done $0x0  }
0x95: {  	s16 =	sld [smem:$0x10];
	[sflag:s15] =	ssyncadd.s32 $0xFFFFFFFF  }
0x96: {  	s17 =	sld [smem:$0x11];
	(tm) =	ssettm $0x1  }
0x97: {  	s18 =	sld [smem:$0x3FFB];
	_ =	sdelay $0x3  }
0x98: {  	_ =	strace s18  }
0x99: {  	s4 =	sld [smem:$0x3FFC];
	_ =	sdelay $0x3  }
0x9a: {  	_ =	strace s4  }
0x9b: {  	s4 =	sld [smem:$0x3FFD];
	_ =	sdelay $0x3  }
0x9c: {  	_ =	strace s4  }
0x9d: {  	_ =	strace $0x8FFFFFFF  }
0x9e: {  	s19 =	sld [smem:$0x3FDB];
	_ =	sdelay $0x1  }
0x9f: {  	s5 =	simm.s32 $_scs_section_size  }
0xa0: {  	s6 =	simm.s32 $_size__tile_overlayer_lowered;
	s7 =	simm.s32 $_tile_overlayer_lowered  }
0xa1: {  	s22 =	simm.s32 $0x1BFF;
	s21 =	sshll.u32 s7, $0x1;
	s4 =	sadd.s32 s5, s19  }
0xa2: {  	s8 =	simm.s32 $0x0;
	s20 =	sshll.u32 s6, $0x1;
	s6 =	sadd.s32 s21, s4  }
0xa3: {  	[timem:s8], [sflag:s22] =	dma.local [hbm:s6], s20  }
0xa4: {  	_ =	swait.ge [sflag:s22], s20  }
0xa5: {  	s5 =	ssub.s32 $0x0, s20;
	[sflag:s22] =	ssyncset.done $0x0  }
0xa6: {  	[sflag:s22] =	ssyncadd.s32 s5;
	_ =	sdelay $0x1  }
0xa7: {  	s23 =	simm.s32 $0x1B8B  }
0xa8: {  	_ =	swait.ge [sflag:s23], $0x1  }
0xa9: {  	[sflag:s23] =	ssyncset.done $0x0  }
0xaa: {  	s25 =	simm.s32 $0x1B8E;
	s24 =	sld [smem:$0x3FFE];
	[sflag:s23] =	ssyncadd.s32 $0xFFFFFFFF  }
0xab: {  	s26 =	simm.s32 $execute0_lowered;
	[smem:$0x3FD2] =	sst s25  }
0xac: {  	s6 =	sshll.u32 s26, $0x1;
	_ =	strace $0x80000046;
	[dreg:$0x1] =	wrdreg $0xFFFFFFFF  }
0xad: {  	s28 =	simm.s32 $_size_execute0_lowered;
	s4 =	sadd.s32 s4, s6;
	[dreg:$0x0] =	wrdreg $0x0  }
0xae: {  	s6 =	sshll.u32 s28, $0x1;
	[dreg:$0x2] =	wrdreg s4  }
0xaf: {  	[dreg:$0x3] =	wrdreg s6  }
0xb0: {  	[dreg:$0x4] =	wrdreg $0xC0  }
0xb1: {  	_ =	task [dreg:s8], $0x5FFFF  }
0xb2: {  	[dreg:$0x1] =	wrdreg $0xFFFFFFFF  }
0xb3: {  	[dreg:$0x0] =	wrdreg $0x60  }
0xb4: {  	[dreg:$0x2] =	wrdreg s24  }
0xb5: {  	[dreg:$0x3] =	wrdreg s16  }
0xb6: {  	[dreg:$0x4] =	wrdreg s17  }
0xb7: {  	[dreg:$0x5] =	wrdreg $0x0  }
0xb8: {  	[dreg:$0x6] =	wrdreg $0x44800  }
0xb9: {  	[dreg:$0x7] =	wrdreg $0x9  }
0xba: {  	_ =	task.clear_ibuf [dreg:s8], $0x8FFFF;
	_ =	strace $0x90000046  }
0xbb: {  	s29 =	simm.s32 $0x9;
	_ =	strace $0x80000048  }
0xbc: {  	_ =	swait.ge [sflag:s29], $0x1  }
0xbd: {  	[sflag:s29] =	ssyncadd.s32 $0xFFFFFFFF  }
0xbe: {  	_ =	strace $0x90000048  }
0xbf: {  	_ =	sfence  }
0xc0: {  	s30 =	sld [smem:$0x0];
	_ =	sdelay $0x2  }
0xc1: {  	s31 =	sshll.u32 s1, $0xD;
	s1 =	sshrl.u32 s1, $0x2  }
0xc2: {  	s3 =	sand.u32 $0x4000, s31;
	s1 =	sadd.s32 s1, s30  }
0xc3: {  	s0 =	sor.u32 s3, s0;
	s1 =	sshll.u32 s1, $0x11  }
0xc4: {  	s0 =	sor.u32 s1, s0  }
0xc5: {  	s0 =	sadd.s32 $0x8F2B, s0  }
0xc6: {  	[sflag:s0] =	ssyncadd.remote.s32 $0x1  }
0xc7: {  	_ =	sfence.sel $0xFFFF  }
0xc8: {  	[dreg:$0x0] =	wrdreg $0xFFFFFFFF;
	(pc) =	sbr.abs _section_cstart, $3  }
0xc9: {  	[dreg:$0x1] =	wrdreg $0xFFFFFFFF  }
0xca: {  	_ =	task.clear_ibuf [dreg:s8], $0x2FFFF;
	_ =	strace $0x9FFFFFFF  }
0xcb: {  	(tm) =	ssettm $0x7FFFFFFF  }
tec
execute0_lowered:
.L_overlay_start_1:
0x0: {  	(tag) =	ssettag $0x1  }
0x1: {  	s5 =	rddreg [dreg:$0x0]  }
0x2: {  	s0 =	rddreg [dreg:$0x1]  }
0x3: {  	s6 =	rddreg [dreg:$0x2]  }
0x4: {  	s7 =	rddreg [dreg:$0x3]  }
0x5: {  	s1 =	srdreg.scid;
	s3 =	rddreg [dreg:$0x4]  }
0x6: {  	s2 =	rddreg [dreg:$0x5];
	s4 =	simm.s32 $0x0;
	s8 =	sand.u32 $0x1, s1  }
0x7: {  	s19 =	simm.s32 $0x1;
	s1 =	stileid.u32;
	s9 =	smul.u32 $0x500, s8  }
0x8: {  	s20 =	simm.s32 $0x480;
	s22 =	simm.s32 $0x400;
	s10 =	smul.u32 $0x50, s1  }
0x9: {  	s23 =	simm.s32 $0x80;
	[smem:$0x7FF] =	sst s4;
	s11 =	smul.u32 $0x13C00, s1  }
0xa: {  	s24 =	smul.u32 $0x13C000, s8;
	_ =	strace $0x80000047;
	s8 =	ssub.s32 $0x2, s8  }
0xb: {  	s12 =	smul.u32 $0x4F000, s1;
	s30 =	sshll.u32 s1, $0xA;
	s31 =	sshll.u32 s1, $0x6  }
0xc: {  	s26 =	sshrl.u32 s8, $0x1;
	s9 =	sadd.s32 s10, s9;
	s10 =	sadd.s32 s11, s24  }
0xd: {  	s16 =	ssub.s32 s8, s26;
	s28 =	sshrl.u32 s12, $0x2;
	s29 =	sshrl.u32 s11, $0x3  }
0xe: {  	s24 =	simm.s32 $0x0;
	s9 =	sshll.u32 s9, $0x4;
	s25 =	sshrl.u32 s10, $0x3  }
0xf: {  	s18 =	sadd.s32 s28, s3;
	s16 =	smax.u32 s16, $0x1;
	s17 =	sadd.s32 s9, s5  }
0x10: {  	s15 =	sadd.s32 s25, s5;
	s5 =	sadd.s32 s6, s29;
	s6 =	sadd.s32 s30, s7  }
0x11: {  	s7 =	sor.u32 $0x1C01, s31;
	s18 =	sshrl.u32 s18, $0x3;
	s8 =	sadd.s32 $0x80, s6  }
0x12: {  	s9 =	sadd.s32 $0x100, s6;
	s10 =	sadd.s32 $0x180, s6;
	s11 =	sadd.s32 $0x200, s6  }
0x13: {  	s12 =	sadd.s32 $0x280, s6;
	s13 =	sadd.s32 $0x300, s6;
	s14 =	sadd.s32 $0x380, s6  }
0x14: {  	s15 =	sadd.s32 $0x15800, s15;
	s17 =	sadd.s32 $0xB800, s17;
	s21 =	sshrl.u32 s6, $0x3  }
.LBB2_1:
0x15: {  	[spmem:s18], [sflag:s7] =	dma.local [hbm:s5], $0x2780  }
0x16: {  	_ =	swait.ge [sflag:s19], $0x2780  }
0x17: {  	[sflag:s19] =	ssyncset.done $0x0  }
0x18: {  	[sflag:s19] =	ssyncadd.s32 $0xFFFFD880  }
0x19: {  	[tilespmem:s20], [sflag:$0x1] =	stream.linear.gather [hbm4b:s0+s4], $0x4000, $0x38;
	[tilespmem:$0x6C00] =	vst v63  }
0x1a: {  	_ =	swait.ge [sflag:s19], $0x4000  }
0x1b: {  	[sflag:s19] =	ssyncset.done $0x0  }
0x1c: {  	[sflag:s19] =	ssyncadd.s32 $0xFFFFC000  }
0x1d: {  	s25 =	sadd.s32 $0x0, s17;
	[bflag:$0x0] =	sbarrier.arrive $0xFFFF  }
0x1e: {  	[spmem:s21], [sflag:s7] =	dma.local [hbm:s25], $0x80  }
0x1f: {  	_ =	swait.ge [sflag:s19], $0x80  }
0x20: {  	[sflag:s19] =	ssyncset.done $0x0  }
0x21: {  	[sflag:s19] =	ssyncadd.s32 $0xFFFFFF80  }
0x22: {  	[tilespmem:s22], [sflag:$0x1] =	stream.linear.gather [spmem:s6], $0x80, $0x38;
	[tilespmem:$0x6C00] =	vst v63  }
0x23: {  	_ =	swait.ge [sflag:s19], $0x80  }
0x24: {  	[sflag:s19] =	ssyncset.done $0x0  }
0x25: {  	[sflag:s19] =	ssyncadd.s32 $0xFFFFFF80  }
0x26: {  	[spmem:s3] =	stream.indirect.scatter.add.f32 [tilespmem:s20], [sflag:$0x1], $0x10, s22, s23, $0xb8;
	[tilespmem:$0x6C00] =	vst v63  }
0x27: {  	_ =	swait.ge [sflag:s19], $0x800  }
0x28: {  	[sflag:s19] =	ssyncset.done $0x0  }
0x29: {  	[sflag:s19] =	ssyncadd.s32 $0xFFFFF800  }
0x2a: {  	[tilespmem:s22], [sflag:$0x1] =	stream.linear.gather [spmem:s8], $0x80, $0x38;
	[tilespmem:$0x6C00] =	vst v63  }
0x2b: {  	_ =	swait.ge [sflag:s19], $0x80  }
0x2c: {  	[sflag:s19] =	ssyncset.done $0x0  }
0x2d: {  	[sflag:s19] =	ssyncadd.s32 $0xFFFFFF80  }
0x2e: {  	[spmem:s3] =	stream.indirect.scatter.add.f32 [tilespmem:s20], [sflag:$0x1], $0x10, s22, s23, $0xb8;
	[tilespmem:$0x6C00] =	vst v63  }
0x2f: {  	_ =	swait.ge [sflag:s19], $0x800  }
0x30: {  	[sflag:s19] =	ssyncset.done $0x0  }
0x31: {  	[sflag:s19] =	ssyncadd.s32 $0xFFFFF800  }
0x32: {  	[tilespmem:s22], [sflag:$0x1] =	stream.linear.gather [spmem:s9], $0x80, $0x38;
	[tilespmem:$0x6C00] =	vst v63  }
0x33: {  	_ =	swait.ge [sflag:s19], $0x80  }
0x34: {  	[sflag:s19] =	ssyncset.done $0x0  }
0x35: {  	[sflag:s19] =	ssyncadd.s32 $0xFFFFFF80  }
0x36: {  	[spmem:s3] =	stream.indirect.scatter.add.f32 [tilespmem:s20], [sflag:$0x1], $0x10, s22, s23, $0xb8;
	[tilespmem:$0x6C00] =	vst v63  }
0x37: {  	_ =	swait.ge [sflag:s19], $0x800  }
0x38: {  	[sflag:s19] =	ssyncset.done $0x0  }
0x39: {  	[sflag:s19] =	ssyncadd.s32 $0xFFFFF800  }
0x3a: {  	[tilespmem:s22], [sflag:$0x1] =	stream.linear.gather [spmem:s10], $0x80, $0x38;
	[tilespmem:$0x6C00] =	vst v63  }
0x3b: {  	_ =	swait.ge [sflag:s19], $0x80  }
0x3c: {  	[sflag:s19] =	ssyncset.done $0x0  }
0x3d: {  	[sflag:s19] =	ssyncadd.s32 $0xFFFFFF80  }
0x3e: {  	[spmem:s3] =	stream.indirect.scatter.add.f32 [tilespmem:s20], [sflag:$0x1], $0x10, s22, s23, $0xb8;
	[tilespmem:$0x6C00] =	vst v63  }
0x3f: {  	_ =	swait.ge [sflag:s19], $0x800  }
0x40: {  	[sflag:s19] =	ssyncset.done $0x0  }
0x41: {  	[sflag:s19] =	ssyncadd.s32 $0xFFFFF800  }
0x42: {  	[tilespmem:s22], [sflag:$0x1] =	stream.linear.gather [spmem:s11], $0x80, $0x38;
	[tilespmem:$0x6C00] =	vst v63  }
0x43: {  	_ =	swait.ge [sflag:s19], $0x80  }
0x44: {  	[sflag:s19] =	ssyncset.done $0x0  }
0x45: {  	[sflag:s19] =	ssyncadd.s32 $0xFFFFFF80  }
0x46: {  	[spmem:s3] =	stream.indirect.scatter.add.f32 [tilespmem:s20], [sflag:$0x1], $0x10, s22, s23, $0xb8;
	[tilespmem:$0x6C00] =	vst v63  }
0x47: {  	_ =	swait.ge [sflag:s19], $0x800  }
0x48: {  	[sflag:s19] =	ssyncset.done $0x0  }
0x49: {  	[sflag:s19] =	ssyncadd.s32 $0xFFFFF800  }
0x4a: {  	[tilespmem:s22], [sflag:$0x1] =	stream.linear.gather [spmem:s12], $0x80, $0x38;
	[tilespmem:$0x6C00] =	vst v63  }
0x4b: {  	_ =	swait.ge [sflag:s19], $0x80  }
0x4c: {  	[sflag:s19] =	ssyncset.done $0x0  }
0x4d: {  	[sflag:s19] =	ssyncadd.s32 $0xFFFFFF80  }
0x4e: {  	[spmem:s3] =	stream.indirect.scatter.add.f32 [tilespmem:s20], [sflag:$0x1], $0x10, s22, s23, $0xb8;
	[tilespmem:$0x6C00] =	vst v63  }
0x4f: {  	_ =	swait.ge [sflag:s19], $0x800  }
0x50: {  	[sflag:s19] =	ssyncset.done $0x0  }
0x51: {  	[sflag:s19] =	ssyncadd.s32 $0xFFFFF800  }
0x52: {  	[tilespmem:s22], [sflag:$0x1] =	stream.linear.gather [spmem:s13], $0x80, $0x38;
	[tilespmem:$0x6C00] =	vst v63  }
0x53: {  	_ =	swait.ge [sflag:s19], $0x80  }
0x54: {  	[sflag:s19] =	ssyncset.done $0x0  }
0x55: {  	[sflag:s19] =	ssyncadd.s32 $0xFFFFFF80  }
0x56: {  	[spmem:s3] =	stream.indirect.scatter.add.f32 [tilespmem:s20], [sflag:$0x1], $0x10, s22, s23, $0xb8;
	[tilespmem:$0x6C00] =	vst v63  }
0x57: {  	_ =	swait.ge [sflag:s19], $0x800  }
0x58: {  	[sflag:s19] =	ssyncset.done $0x0  }
0x59: {  	[sflag:s19] =	ssyncadd.s32 $0xFFFFF800  }
0x5a: {  	[tilespmem:s22], [sflag:$0x1] =	stream.linear.gather [spmem:s14], $0x80, $0x38;
	[tilespmem:$0x6C00] =	vst v63  }
0x5b: {  	_ =	swait.ge [sflag:s19], $0x80  }
0x5c: {  	[sflag:s19] =	ssyncset.done $0x0  }
0x5d: {  	[sflag:s19] =	ssyncadd.s32 $0xFFFFFF80  }
0x5e: {  	[spmem:s3] =	stream.indirect.scatter.add.f32 [tilespmem:s20], [sflag:$0x1], $0x10, s22, s23, $0xb8;
	[tilespmem:$0x6C00] =	vst v63  }
0x5f: {  	_ =	swait.ge [sflag:s19], $0x800  }
0x60: {  	s28 =	simm.s32 $0x100;
	s25 =	simm.s32 $0x80;
	[sflag:s19] =	ssyncset.done $0x0  }
.LBB2_2:
0x61: {  	s29 =	sadd.s32 s25, s17  }
0x62: {  	[sflag:s19] =	ssyncadd.s32 $0xFFFFF800;
	s25 =	smov.u32 s28;
	s26 =	sadd.s32 $0x80, s28  }
0x63: {  	[spmem:s21], [sflag:s7] =	dma.local [hbm:s29], $0x80  }
0x64: {  	p0 =	sne.s32 s28, $0x480;
	_ =	swait.ge [sflag:s19], $0x80  }
0x65: {  	[sflag:s19] =	ssyncset.done $0x0  }
0x66: {  	[sflag:s19] =	ssyncadd.s32 $0xFFFFFF80  }
0x67: {  	[tilespmem:s22], [sflag:$0x1] =	stream.linear.gather [spmem:s6], $0x80, $0x38;
	[tilespmem:$0x6C00] =	vst v63  }
0x68: {  	_ =	swait.ge [sflag:s19], $0x80  }
0x69: {  	[sflag:s19] =	ssyncset.done $0x0  }
0x6a: {  	[sflag:s19] =	ssyncadd.s32 $0xFFFFFF80  }
0x6b: {  	[spmem:s3] =	stream.indirect.scatter.add.f32 [tilespmem:s20], [sflag:$0x1], $0x10, s22, s23, $0xb8;
	[tilespmem:$0x6C00] =	vst v63  }
0x6c: {  	_ =	swait.ge [sflag:s19], $0x800  }
0x6d: {  	[sflag:s19] =	ssyncset.done $0x0  }
0x6e: {  	[sflag:s19] =	ssyncadd.s32 $0xFFFFF800  }
0x6f: {  	[tilespmem:s22], [sflag:$0x1] =	stream.linear.gather [spmem:s8], $0x80, $0x38;
	[tilespmem:$0x6C00] =	vst v63  }
0x70: {  	_ =	swait.ge [sflag:s19], $0x80  }
0x71: {  	[sflag:s19] =	ssyncset.done $0x0  }
0x72: {  	[sflag:s19] =	ssyncadd.s32 $0xFFFFFF80  }
0x73: {  	[spmem:s3] =	stream.indirect.scatter.add.f32 [tilespmem:s20], [sflag:$0x1], $0x10, s22, s23, $0xb8;
	[tilespmem:$0x6C00] =	vst v63  }
0x74: {  	_ =	swait.ge [sflag:s19], $0x800  }
0x75: {  	[sflag:s19] =	ssyncset.done $0x0  }
0x76: {  	[sflag:s19] =	ssyncadd.s32 $0xFFFFF800  }
0x77: {  	[tilespmem:s22], [sflag:$0x1] =	stream.linear.gather [spmem:s9], $0x80, $0x38;
	[tilespmem:$0x6C00] =	vst v63  }
0x78: {  	_ =	swait.ge [sflag:s19], $0x80  }
0x79: {  	[sflag:s19] =	ssyncset.done $0x0  }
0x7a: {  	[sflag:s19] =	ssyncadd.s32 $0xFFFFFF80  }
0x7b: {  	[spmem:s3] =	stream.indirect.scatter.add.f32 [tilespmem:s20], [sflag:$0x1], $0x10, s22, s23, $0xb8;
	[tilespmem:$0x6C00] =	vst v63  }
0x7c: {  	_ =	swait.ge [sflag:s19], $0x800  }
0x7d: {  	[sflag:s19] =	ssyncset.done $0x0  }
0x7e: {  	[sflag:s19] =	ssyncadd.s32 $0xFFFFF800  }
0x7f: {  	[tilespmem:s22], [sflag:$0x1] =	stream.linear.gather [spmem:s10], $0x80, $0x38;
	[tilespmem:$0x6C00] =	vst v63  }
0x80: {  	_ =	swait.ge [sflag:s19], $0x80  }
0x81: {  	[sflag:s19] =	ssyncset.done $0x0  }
0x82: {  	[sflag:s19] =	ssyncadd.s32 $0xFFFFFF80  }
0x83: {  	[spmem:s3] =	stream.indirect.scatter.add.f32 [tilespmem:s20], [sflag:$0x1], $0x10, s22, s23, $0xb8;
	[tilespmem:$0x6C00] =	vst v63  }
0x84: {  	_ =	swait.ge [sflag:s19], $0x800  }
0x85: {  	[sflag:s19] =	ssyncset.done $0x0  }
0x86: {  	[sflag:s19] =	ssyncadd.s32 $0xFFFFF800  }
0x87: {  	[tilespmem:s22], [sflag:$0x1] =	stream.linear.gather [spmem:s11], $0x80, $0x38;
	[tilespmem:$0x6C00] =	vst v63  }
0x88: {  	_ =	swait.ge [sflag:s19], $0x80  }
0x89: {  	[sflag:s19] =	ssyncset.done $0x0  }
0x8a: {  	[sflag:s19] =	ssyncadd.s32 $0xFFFFFF80  }
0x8b: {  	[spmem:s3] =	stream.indirect.scatter.add.f32 [tilespmem:s20], [sflag:$0x1], $0x10, s22, s23, $0xb8;
	[tilespmem:$0x6C00] =	vst v63  }
0x8c: {  	_ =	swait.ge [sflag:s19], $0x800  }
0x8d: {  	[sflag:s19] =	ssyncset.done $0x0  }
0x8e: {  	[sflag:s19] =	ssyncadd.s32 $0xFFFFF800  }
0x8f: {  	[tilespmem:s22], [sflag:$0x1] =	stream.linear.gather [spmem:s12], $0x80, $0x38;
	[tilespmem:$0x6C00] =	vst v63  }
0x90: {  	_ =	swait.ge [sflag:s19], $0x80  }
0x91: {  	[sflag:s19] =	ssyncset.done $0x0  }
0x92: {  	[sflag:s19] =	ssyncadd.s32 $0xFFFFFF80  }
0x93: {  	[spmem:s3] =	stream.indirect.scatter.add.f32 [tilespmem:s20], [sflag:$0x1], $0x10, s22, s23, $0xb8;
	[tilespmem:$0x6C00] =	vst v63  }
0x94: {  	_ =	swait.ge [sflag:s19], $0x800  }
0x95: {  	[sflag:s19] =	ssyncset.done $0x0  }
0x96: {  	[sflag:s19] =	ssyncadd.s32 $0xFFFFF800  }
0x97: {  	[tilespmem:s22], [sflag:$0x1] =	stream.linear.gather [spmem:s13], $0x80, $0x38;
	[tilespmem:$0x6C00] =	vst v63  }
0x98: {  	_ =	swait.ge [sflag:s19], $0x80  }
0x99: {  	[sflag:s19] =	ssyncset.done $0x0  }
0x9a: {  	[sflag:s19] =	ssyncadd.s32 $0xFFFFFF80  }
0x9b: {  	[spmem:s3] =	stream.indirect.scatter.add.f32 [tilespmem:s20], [sflag:$0x1], $0x10, s22, s23, $0xb8;
	[tilespmem:$0x6C00] =	vst v63  }
0x9c: {  	_ =	swait.ge [sflag:s19], $0x800  }
0x9d: {  	[sflag:s19] =	ssyncset.done $0x0  }
0x9e: {  	[sflag:s19] =	ssyncadd.s32 $0xFFFFF800  }
0x9f: {  	[tilespmem:s22], [sflag:$0x1] =	stream.linear.gather [spmem:s14], $0x80, $0x38;
	[tilespmem:$0x6C00] =	vst v63  }
0xa0: {  	_ =	swait.ge [sflag:s19], $0x80  }
.Ltmp0:
0xa1: {  	[sflag:s19] =	ssyncset.done $0x0;
	(pc) =	sbr.rel @p0 .LBB2_2-.Ltmp0, $4  }
0xa2: {  	[sflag:s19] =	ssyncadd.s32 $0xFFFFFF80  }
0xa3: {  	[spmem:s3] =	stream.indirect.scatter.add.f32 [tilespmem:s20], [sflag:$0x1], $0x10, s22, s23, $0xb8;
	[tilespmem:$0x6C00] =	vst v63  }
0xa4: {  	_ =	swait.ge [sflag:s19], $0x800  }
0xa5: {  	s28 =	smov.u32 s26;
	[sflag:s19] =	ssyncset.done $0x0  }
0xa6: {  	s25 =	sadd.s32 s25, s17;
	[sflag:s19] =	ssyncadd.s32 $0xFFFFF800  }
0xa7: {  	[spmem:s21], [sflag:s7] =	dma.local [hbm:s25], $0x80  }
0xa8: {  	_ =	swait.ge [sflag:s19], $0x80  }
0xa9: {  	[sflag:s19] =	ssyncset.done $0x0  }
0xaa: {  	[sflag:s19] =	ssyncadd.s32 $0xFFFFFF80  }
0xab: {  	[tilespmem:s22], [sflag:$0x1] =	stream.linear.gather [spmem:s6], $0x80, $0x38;
	[tilespmem:$0x6C00] =	vst v63  }
0xac: {  	_ =	swait.ge [sflag:s19], $0x80  }
0xad: {  	[sflag:s19] =	ssyncset.done $0x0  }
0xae: {  	[sflag:s19] =	ssyncadd.s32 $0xFFFFFF80  }
0xaf: {  	[spmem:s3] =	stream.indirect.scatter.add.f32 [tilespmem:s20], [sflag:$0x1], $0x10, s22, s23, $0xb8;
	[tilespmem:$0x6C00] =	vst v63  }
0xb0: {  	_ =	swait.ge [sflag:s19], $0x800  }
0xb1: {  	[sflag:s19] =	ssyncset.done $0x0  }
0xb2: {  	[sflag:s19] =	ssyncadd.s32 $0xFFFFF800  }
0xb3: {  	[tilespmem:s22], [sflag:$0x1] =	stream.linear.gather [spmem:s8], $0x80, $0x38;
	[tilespmem:$0x6C00] =	vst v63  }
0xb4: {  	_ =	swait.ge [sflag:s19], $0x80  }
0xb5: {  	[sflag:s19] =	ssyncset.done $0x0  }
0xb6: {  	[sflag:s19] =	ssyncadd.s32 $0xFFFFFF80  }
0xb7: {  	[spmem:s3] =	stream.indirect.scatter.add.f32 [tilespmem:s20], [sflag:$0x1], $0x10, s22, s23, $0xb8;
	[tilespmem:$0x6C00] =	vst v63  }
0xb8: {  	_ =	swait.ge [sflag:s19], $0x800  }
0xb9: {  	[sflag:s19] =	ssyncset.done $0x0  }
0xba: {  	[sflag:s19] =	ssyncadd.s32 $0xFFFFF800  }
0xbb: {  	[tilespmem:s22], [sflag:$0x1] =	stream.linear.gather [spmem:s9], $0x80, $0x38;
	[tilespmem:$0x6C00] =	vst v63  }
0xbc: {  	_ =	swait.ge [sflag:s19], $0x80  }
0xbd: {  	[sflag:s19] =	ssyncset.done $0x0  }
0xbe: {  	[sflag:s19] =	ssyncadd.s32 $0xFFFFFF80  }
0xbf: {  	[spmem:s3] =	stream.indirect.scatter.add.f32 [tilespmem:s20], [sflag:$0x1], $0x10, s22, s23, $0xb8;
	[tilespmem:$0x6C00] =	vst v63  }
0xc0: {  	_ =	swait.ge [sflag:s19], $0x800  }
0xc1: {  	[sflag:s19] =	ssyncset.done $0x0  }
0xc2: {  	[sflag:s19] =	ssyncadd.s32 $0xFFFFF800  }
0xc3: {  	[tilespmem:s22], [sflag:$0x1] =	stream.linear.gather [spmem:s10], $0x80, $0x38;
	[tilespmem:$0x6C00] =	vst v63  }
0xc4: {  	_ =	swait.ge [sflag:s19], $0x80  }
0xc5: {  	[sflag:s19] =	ssyncset.done $0x0  }
0xc6: {  	[sflag:s19] =	ssyncadd.s32 $0xFFFFFF80  }
0xc7: {  	[spmem:s3] =	stream.indirect.scatter.add.f32 [tilespmem:s20], [sflag:$0x1], $0x10, s22, s23, $0xb8;
	[tilespmem:$0x6C00] =	vst v63  }
0xc8: {  	_ =	swait.ge [sflag:s19], $0x800  }
0xc9: {  	[sflag:s19] =	ssyncset.done $0x0  }
0xca: {  	[sflag:s19] =	ssyncadd.s32 $0xFFFFF800  }
0xcb: {  	[tilespmem:s22], [sflag:$0x1] =	stream.linear.gather [spmem:s11], $0x80, $0x38;
	[tilespmem:$0x6C00] =	vst v63  }
0xcc: {  	_ =	swait.ge [sflag:s19], $0x80  }
0xcd: {  	[sflag:s19] =	ssyncset.done $0x0  }
0xce: {  	[sflag:s19] =	ssyncadd.s32 $0xFFFFFF80  }
0xcf: {  	[spmem:s3] =	stream.indirect.scatter.add.f32 [tilespmem:s20], [sflag:$0x1], $0x10, s22, s23, $0xb8;
	[tilespmem:$0x6C00] =	vst v63  }
0xd0: {  	_ =	swait.ge [sflag:s19], $0x800  }
0xd1: {  	[sflag:s19] =	ssyncset.done $0x0  }
0xd2: {  	[sflag:s19] =	ssyncadd.s32 $0xFFFFF800  }
0xd3: {  	[tilespmem:s22], [sflag:$0x1] =	stream.linear.gather [spmem:s12], $0x80, $0x38;
	[tilespmem:$0x6C00] =	vst v63  }
0xd4: {  	_ =	swait.ge [sflag:s19], $0x80  }
0xd5: {  	[sflag:s19] =	ssyncset.done $0x0  }
0xd6: {  	[sflag:s19] =	ssyncadd.s32 $0xFFFFFF80  }
0xd7: {  	[spmem:s3] =	stream.indirect.scatter.add.f32 [tilespmem:s20], [sflag:$0x1], $0x10, s22, s23, $0xb8;
	[tilespmem:$0x6C00] =	vst v63  }
0xd8: {  	_ =	swait.ge [sflag:s19], $0x800  }
0xd9: {  	[sflag:s19] =	ssyncset.done $0x0  }
0xda: {  	[sflag:s19] =	ssyncadd.s32 $0xFFFFF800  }
0xdb: {  	[tilespmem:s22], [sflag:$0x1] =	stream.linear.gather [spmem:s13], $0x80, $0x38;
	[tilespmem:$0x6C00] =	vst v63  }
0xdc: {  	_ =	swait.ge [sflag:s19], $0x80  }
0xdd: {  	[sflag:s19] =	ssyncset.done $0x0  }
0xde: {  	[sflag:s19] =	ssyncadd.s32 $0xFFFFFF80  }
0xdf: {  	[spmem:s3] =	stream.indirect.scatter.add.f32 [tilespmem:s20], [sflag:$0x1], $0x10, s22, s23, $0xb8;
	[tilespmem:$0x6C00] =	vst v63  }
0xe0: {  	_ =	swait.ge [sflag:s19], $0x800  }
0xe1: {  	[sflag:s19] =	ssyncset.done $0x0  }
0xe2: {  	[sflag:s19] =	ssyncadd.s32 $0xFFFFF800  }
0xe3: {  	[tilespmem:s22], [sflag:$0x1] =	stream.linear.gather [spmem:s14], $0x80, $0x38;
	[tilespmem:$0x6C00] =	vst v63  }
0xe4: {  	_ =	swait.ge [sflag:s19], $0x80  }
0xe5: {  	[sflag:s19] =	ssyncset.done $0x0  }
0xe6: {  	[sflag:s19] =	ssyncadd.s32 $0xFFFFFF80  }
0xe7: {  	[spmem:s3] =	stream.indirect.scatter.add.f32 [tilespmem:s20], [sflag:$0x1], $0x10, s22, s23, $0xb8;
	[tilespmem:$0x6C00] =	vst v63  }
0xe8: {  	_ =	swait.ge [sflag:s19], $0x800  }
0xe9: {  	s24 =	sadd.s32 $0x1, s24;
	[sflag:s19] =	ssyncset.done $0x0  }
0xea: {  	p0 =	sne.s32 s24, s16;
	[sflag:s19] =	ssyncadd.s32 $0xFFFFF800  }
.Ltmp1:
0xeb: {  	[bflag:$0x0] =	sbarrier.arrive $0xFFFF;
	(pc) =	sbr.rel @p0 .LBB2_1-.Ltmp1, $4  }
0xec: {  	[hbm:s15], [sflag:s7] =	dma.local [spmem:s18], $0x2780  }
0xed: {  	_ =	swait.ge [sflag:s19], $0x2780  }
0xee: {  	[sflag:s19] =	ssyncset.done $0x0  }
0xef: {  	[sflag:s19] =	ssyncadd.s32 $0xFFFFD880  }
0xf0: {  	_ =	sfence.sel $0x180000  }
0xf1: {  	[bflag:$0x0] =	sbarrier.arrive $0xFFFF  }
0xf2: {  	p0 =	sne.s32 s1, $0x0;
	_ =	strace $0x90000047  }
0xf3: {  	s0 =	sadd.s32 @!p0 $0x100000, s2;
	[bflag:$0x2] =	sbarrier.arrive $0xFFFF  }
0xf4: {  	[sflag:s0] =	ssyncadd.tile.s32 @!p0 $0x1;
	_ =	shalt  }
.Lfunc_end2:
_tile_overlayer_lowered:
.L_overlay_start_2:
0xf5: {  	(tag) =	ssettag $0x2  }
0xf6: {  	s0 =	rddreg [dreg:$0x0];
	s2 =	stileid.u32  }
0xf7: {  	s1 =	rddreg [dreg:$0x1];
	p0 =	sne.s32 s2, $0x0  }
0xf8: {  	s3 =	rddreg [dreg:$0x2];
	[bflag:$0x3] =	sbarrier.arrive $0xFFFF;
	s2 =	simm.s32 @!p0 $0x1C01  }
0xf9: {  	[timem:s3], [sflag:s2] =	dma.local @!p0 [hbm:s0], s1  }
0xfa: {  	s0 =	simm.s32 @!p0 $0x1  }
0xfb: {  	_ =	swait.ge @!p0 [sflag:s0], s1  }
0xfc: {  	s1 =	ssub.s32 @!p0 $0x0, s1;
	[sflag:s0] =	ssyncset.done @!p0 $0x0  }
0xfd: {  	[sflag:s0] =	ssyncadd.s32 @!p0 s1  }
0xfe: {  	[bflag:$0x3] =	sbarrier.arrive $0xFFFF  }
0xff: {  	_ =	shalt  }

// kernel: kernel.9.cloned.1.call-start
scs
__scs_entry_jumppad:
0x0: {  	(pc) =	sbr.rel $0x88, $3  }
0x1: {  	(tag) =	ssettag $0x0;
	lr =	simm.s32 $0x1  }
0x2: {  	[smem:$0x3F9B] =	sst lr;
	_ =	strace $0xD0000000  }
0x3: {  	_ = 	snop  }
0x4: {  	_ = 	snop  }
0x5: {  	_ = 	snop  }
0x6: {  	_ = 	snop  }
0x7: {  	_ = 	snop  }
__scs_overlays_trampoline_lowered:
0x8: {  	[smem:$0x3FAA] =	sst s0  }
0x9: {  	[smem:$0x3FAB] =	sst s1  }
0xa: {  	[smem:$0x3FAC] =	sst s2  }
0xb: {  	[smem:$0x3FAD] =	sst s3  }
0xc: {  	[smem:$0x3FAE] =	sst s4  }
0xd: {  	[smem:$0x3FAF] =	sst s5  }
0xe: {  	[smem:$0x3FB0] =	sst s6  }
0xf: {  	[smem:$0x3FB1] =	sst s7  }
0x10: {  	[smem:$0x3FB2] =	sst s8  }
0x11: {  	[smem:$0x3FB3] =	sst s9;
	s0 =	simm.s32 @!p0 $0x0  }
0x12: {  	s1 =	sld [smem:$0x3F99];
	s0 =	simm.s32 @p0 $0x1  }
0x13: {  	[smem:$0x3FB4] =	sst s0;
	s0 =	simm.s32 @!p1 $0x0  }
0x14: {  	s2 =	sld [smem:$0x3F98];
	s0 =	simm.s32 @p1 $0x1  }
0x15: {  	[smem:$0x3FB5] =	sst s0;
	s0 =	simm.s32 @!p2 $0x0  }
0x16: {  	s3 =	sld [smem:$0x3FDB];
	s0 =	simm.s32 @p2 $0x1  }
0x17: {  	s4 =	simm.s32 $0x1BF5;
	[smem:$0x3FB7] =	sst s0  }
0x18: {  	s0 =	sld [smem:$0x3F9A];
	_ =	swait.ge [sflag:s4], $0x0  }
0x19: {  	s7 =	sld [smem:$0x3F9B]  }
0x1a: {  	s8 =	sadd.s32 $0xFFFFE003, lr  }
0x1b: {  	s9 =	sadd.s32 $0xFFFFFEF7, lr;
	s5 =	simm.s32 $0xFFFFFFFF;
	p2 =	slt.u32 s8, $0xFFFFF086  }
0x1c: {  	p1 =	slt.u32 s9, $0xF7A;
	s5 =	simm.s32 @!p2 $0x0  }
0x1d: {  	s5 =	simm.s32 @p1 $0x1;
	p0 =	seq.s32 s7, s2  }
0x1e: {  	s7 =	smul.u32 @!p0 $0xF7A, s2;
	p2 =	seq.s32 @!p0 s5, $0x0  }
0x1f: {  	s9 =	smul.u32 $0xF7A, s1;
	s8 =	simm.s32 @!p0 $0x1BF5;
	p2 =	por !p2, p0  }
0x20: {  	[sflag:s8] =	ssyncset.s32 @!p0 $0xFFFFF086;
	s6 =	sadd.s32 @!p0 s3, s7;
	s7 =	simm.s32 @!p0 $0x108  }
0x21: {  	s3 =	sadd.s32 s3, s9;
	s6 =	sadd.s32 @!p0 $0x88, s6;
	s7 =	simm.s32 @p2 $0x1082  }
0x22: {  	[simem:s7], [sflag:s8] =	dma.local @!p0 [hbm:s6], $0xF7A  }
0x23: {  	s9 =	sor.u32 $0xD0000000, s2;
	s6 =	simm.s32 $0x108;
	_ =	swait.ge @!p0 [sflag:s8], $0x0  }
0x24: {  	s3 =	sadd.s32 $0x88, s3;
	s6 =	simm.s32 @!p1 $0x1082;
	[sflag:s4] =	ssyncset.s32 $0xFFFFF086  }
0x25: {  	[simem:s6], [sflag:s4] =	dma.local [hbm:s3], $0xF7A  }
0x26: {  	[smem:$0x3F9B] =	sst s1;
	(tag) =	ssettag s2;
	_ =	strace s9  }
0x27: {  	s1 =	sld [smem:$0x3FAB]  }
0x28: {  	s2 =	sld [smem:$0x3FAC]  }
0x29: {  	s4 =	sld [smem:$0x3FAE]  }
0x2a: {  	p0 =	seq.s32 s5, $0x0;
	s5 =	sld [smem:$0x3FAF]  }
0x2b: {  	s6 =	sld [smem:$0x3FB0]  }
0x2c: {  	s7 =	sld [smem:$0x3FB1]  }
0x2d: {  	s3 =	simm.s32 $0x108;
	s8 =	sld [smem:$0x3FB2]  }
0x2e: {  	s3 =	simm.s32 @!p0 $0x1082;
	s9 =	sld [smem:$0x3FB3]  }
0x2f: {  	lr =	sadd.s32 s0, s3;
	s0 =	sld [smem:$0x3FAA]  }
0x30: {  	s3 =	sld [smem:$0x3FAD]  }
0x31: {  	[smem:$0x3FB6] =	sst s10  }
0x32: {  	s10 =	sld [smem:$0x3FB4];
	_ =	sdelay $0x3  }
0x33: {  	p0 =	seq.s32 s10, $0x1;
	s10 =	sld [smem:$0x3FB6];
	_ =	sdelay $0x3  }
0x34: {  	[smem:$0x3FB6] =	sst s10  }
0x35: {  	s10 =	sld [smem:$0x3FB5];
	_ =	sdelay $0x3  }
0x36: {  	p1 =	seq.s32 s10, $0x1;
	s10 =	sld [smem:$0x3FB6];
	_ =	sdelay $0x3  }
0x37: {  	[smem:$0x3FB6] =	sst s10  }
0x38: {  	s10 =	sld [smem:$0x3FB7]  }
0x39: {  	_ = 	snop;
	(pc) =	sbr.ind lr, $3  }
0x3a: {  	_ = 	snop  }
0x3b: {  	_ = 	snop  }
0x3c: {  	p2 =	seq.s32 s10, $0x1;
	s10 =	sld [smem:$0x3FB6]  }
0x3d: {  	_ =	shalt  }
0x3e: {  	_ =	shalt  }
0x3f: {  	_ =	shalt  }
0x40: {  	_ =	shalt  }
0x41: {  	_ =	shalt  }
0x42: {  	_ =	shalt  }
0x43: {  	_ =	shalt  }
0x44: {  	_ =	shalt  }
0x45: {  	_ =	shalt  }
0x46: {  	_ =	shalt  }
0x47: {  	_ =	shalt  }
0x48: {  	_ =	shalt  }
0x49: {  	_ =	shalt  }
0x4a: {  	_ =	shalt  }
0x4b: {  	_ =	shalt  }
0x4c: {  	_ =	shalt  }
0x4d: {  	_ =	shalt  }
0x4e: {  	_ =	shalt  }
0x4f: {  	_ =	shalt  }
0x50: {  	_ =	shalt  }
0x51: {  	_ =	shalt  }
0x52: {  	_ =	shalt  }
0x53: {  	_ =	shalt  }
0x54: {  	_ =	shalt  }
0x55: {  	_ =	shalt  }
0x56: {  	_ =	shalt  }
0x57: {  	_ =	shalt  }
0x58: {  	_ =	shalt  }
0x59: {  	_ =	shalt  }
0x5a: {  	_ =	shalt  }
0x5b: {  	_ =	shalt  }
0x5c: {  	_ =	shalt  }
0x5d: {  	_ =	shalt  }
0x5e: {  	_ =	shalt  }
0x5f: {  	_ =	shalt  }
0x60: {  	_ =	shalt  }
0x61: {  	_ =	shalt  }
0x62: {  	_ =	shalt  }
0x63: {  	_ =	shalt  }
0x64: {  	_ =	shalt  }
0x65: {  	_ =	shalt  }
0x66: {  	_ =	shalt  }
0x67: {  	_ =	shalt  }
0x68: {  	_ =	shalt  }
0x69: {  	_ =	shalt  }
0x6a: {  	_ =	shalt  }
0x6b: {  	_ =	shalt  }
0x6c: {  	_ =	shalt  }
0x6d: {  	_ =	shalt  }
0x6e: {  	_ =	shalt  }
0x6f: {  	_ =	shalt  }
0x70: {  	_ =	shalt  }
0x71: {  	_ =	shalt  }
0x72: {  	_ =	shalt  }
0x73: {  	_ =	shalt  }
0x74: {  	_ =	shalt  }
0x75: {  	_ =	shalt  }
0x76: {  	_ =	shalt  }
0x77: {  	_ =	shalt  }
0x78: {  	_ =	shalt  }
0x79: {  	_ =	shalt  }
0x7a: {  	_ =	shalt  }
0x7b: {  	_ =	shalt  }
0x7c: {  	_ =	shalt  }
0x7d: {  	_ =	shalt  }
0x7e: {  	_ =	shalt  }
0x7f: {  	_ =	shalt  }
0x80: {  	_ =	shalt  }
0x81: {  	_ =	shalt  }
0x82: {  	_ =	shalt  }
0x83: {  	_ =	shalt  }
0x84: {  	_ =	shalt  }
0x85: {  	_ =	shalt  }
0x86: {  	_ =	shalt  }
0x87: {  	_ =	shalt  }
.Lfunc_end0:
.L_simem_size_0:
called_computation.1_lowered:
.L_overlay_start_0:
0x88: {  	s2 =	sld [smem:$0x3FD9]  }
0x89: {  	s3 =	sld [smem:$0x3FFE];
	_ =	sdelay $0x1  }
0x8a: {  	s1 =	srdreg.scid  }
0x8b: {  	s0 =	sand.u32 $0x1, s1  }
0x8c: {  	s16 =	sshll.u32 s0, $0xA;
	s2 =	sadd.s32 s3, s2  }
0x8d: {  	s2 =	sadd.s32 s2, s16  }
0x8e: {  	[smem:$0x3FC2] =	sst s2  }
0x8f: {  	_ = 	snop  }
0x90: {  	(tm) =	ssettm $0x1  }
0x91: {  	s17 =	sld [smem:$0x3FFB];
	_ =	sdelay $0x3  }
0x92: {  	_ =	strace s17  }
0x93: {  	s2 =	sld [smem:$0x3FFC];
	_ =	sdelay $0x3  }
0x94: {  	_ =	strace s2  }
0x95: {  	s2 =	sld [smem:$0x3FFD];
	_ =	sdelay $0x3  }
0x96: {  	_ =	strace s2  }
0x97: {  	_ =	strace $0x8FFFFFFF  }
0x98: {  	s18 =	sld [smem:$0x3FDB];
	_ =	sdelay $0x1  }
0x99: {  	s19 =	simm.s32 $_scs_section_size  }
0x9a: {  	s4 =	simm.s32 $_size__tile_overlayer_lowered;
	s5 =	simm.s32 $_tile_overlayer_lowered  }
0x9b: {  	s22 =	simm.s32 $0x1BFF;
	s21 =	sshll.u32 s5, $0x1;
	s2 =	sadd.s32 s19, s18  }
0x9c: {  	s6 =	simm.s32 $0x0;
	s20 =	sshll.u32 s4, $0x1;
	s4 =	sadd.s32 s21, s2  }
0x9d: {  	[timem:s6], [sflag:s22] =	dma.local [hbm:s4], s20  }
0x9e: {  	_ =	swait.ge [sflag:s22], s20  }
0x9f: {  	s3 =	ssub.s32 $0x0, s20;
	[sflag:s22] =	ssyncset.done $0x0  }
0xa0: {  	[sflag:s22] =	ssyncadd.s32 s3;
	_ =	sdelay $0x1  }
0xa1: {  	s23 =	simm.s32 $0x1B8B  }
0xa2: {  	_ =	swait.ge [sflag:s23], $0x1  }
0xa3: {  	[sflag:s23] =	ssyncset.done $0x0  }
0xa4: {  	s25 =	simm.s32 $0x1B8E;
	s24 =	sld [smem:$0x3FFE];
	[sflag:s23] =	ssyncadd.s32 $0xFFFFFFFF  }
0xa5: {  	s26 =	simm.s32 $execute0_lowered;
	[smem:$0x3FD2] =	sst s25  }
0xa6: {  	s4 =	sshll.u32 s26, $0x1;
	_ =	strace $0x80000049;
	[dreg:$0x1] =	wrdreg $0xFFFFFFFF  }
0xa7: {  	s28 =	simm.s32 $_size_execute0_lowered;
	s2 =	sadd.s32 s2, s4;
	[dreg:$0x0] =	wrdreg $0x0  }
0xa8: {  	s4 =	sshll.u32 s28, $0x1;
	[dreg:$0x2] =	wrdreg s2  }
0xa9: {  	[dreg:$0x3] =	wrdreg s4  }
0xaa: {  	[dreg:$0x4] =	wrdreg $0xC0  }
0xab: {  	_ =	task [dreg:s6], $0x5FFFF  }
0xac: {  	[dreg:$0x1] =	wrdreg $0xFFFFFFFF  }
0xad: {  	[dreg:$0x0] =	wrdreg $0x60  }
0xae: {  	[dreg:$0x2] =	wrdreg s24  }
0xaf: {  	[dreg:$0x3] =	wrdreg $0x4000  }
0xb0: {  	[dreg:$0x4] =	wrdreg $0x48800  }
0xb1: {  	[dreg:$0x5] =	wrdreg $0x9  }
0xb2: {  	_ =	task.clear_ibuf [dreg:s6], $0x6FFFF;
	_ =	strace $0x90000049  }
0xb3: {  	s29 =	simm.s32 $0x9;
	_ =	strace $0x8000004B  }
0xb4: {  	_ =	swait.ge [sflag:s29], $0x1  }
0xb5: {  	[sflag:s29] =	ssyncadd.s32 $0xFFFFFFFF  }
0xb6: {  	_ =	strace $0x9000004B  }
0xb7: {  	_ =	sfence  }
0xb8: {  	s30 =	sld [smem:$0x0];
	_ =	sdelay $0x2  }
0xb9: {  	s31 =	sshll.u32 s1, $0xD;
	s1 =	sshrl.u32 s1, $0x2  }
0xba: {  	s3 =	sand.u32 $0x4000, s31;
	s1 =	sadd.s32 s1, s30  }
0xbb: {  	s0 =	sor.u32 s3, s0;
	s1 =	sshll.u32 s1, $0x11  }
0xbc: {  	s0 =	sor.u32 s1, s0  }
0xbd: {  	s0 =	sadd.s32 $0x8F2B, s0  }
0xbe: {  	[sflag:s0] =	ssyncadd.remote.s32 $0x1  }
0xbf: {  	_ =	sfence.sel $0xFFFF  }
0xc0: {  	[dreg:$0x0] =	wrdreg $0xFFFFFFFF;
	(pc) =	sbr.abs _section_cstart, $3  }
0xc1: {  	[dreg:$0x1] =	wrdreg $0xFFFFFFFF  }
0xc2: {  	_ =	task.clear_ibuf [dreg:s6], $0x2FFFF;
	_ =	strace $0x9FFFFFFF  }
0xc3: {  	(tm) =	ssettm $0x7FFFFFFF  }
tec
execute0_lowered:
.L_overlay_start_1:
0x0: {  	(tag) =	ssettag $0x1  }
0x1: {  	s0 =	rddreg [dreg:$0x0];
	s1 =	srdreg.scid  }
0x2: {  	s5 =	rddreg [dreg:$0x1];
	s10 =	stileid.u32  }
0x3: {  	s2 =	rddreg [dreg:$0x2];
	s3 =	simm.s32 $0x0;
	s28 =	simm.s32 $0x200  }
0x4: {  	s29 =	simm.s32 $0x280;
	s30 =	simm.s32 $0x300;
	s6 =	smul.u32 $0x50, s10  }
0x5: {  	s31 =	simm.s32 $0x380;
	s1 =	sand.u32 $0x1, s1;
	s20 =	smul.u32 $0x13C00, s10  }
0x6: {  	[smem:$0x7FF] =	sst s3;
	s22 =	smul.u32 $0x4F000, s10;
	s24 =	sshll.u32 s10, $0x6  }
0x7: {  	s25 =	sshll.u32 s10, $0xA;
	s4 =	smul.u32 $0x500, s1;
	_ =	strace $0x8000004A  }
0x8: {  	s8 =	smul.u32 $0x13C000, s1;
	s1 =	ssub.s32 $0x2, s1;
	s21 =	sshrl.u32 s20, $0x3  }
0x9: {  	s9 =	sshrl.u32 s1, $0x1;
	s23 =	sshrl.u32 s22, $0x2;
	s22 =	simm.s32 $0x800  }
0xa: {  	s4 =	sadd.s32 s6, s4;
	s6 =	sadd.s32 s20, s8;
	s1 =	ssub.s32 s1, s9  }
0xb: {  	s19 =	sadd.s32 s23, s2;
	s20 =	simm.s32 $0x1;
	s23 =	simm.s32 $0x80  }
0xc: {  	s7 =	sshll.u32 s4, $0x4;
	s4 =	sadd.s32 $0x64800, s0;
	s6 =	sshrl.u32 s6, $0x3  }
0xd: {  	s26 =	smax.u32 s1, $0x1;
	s1 =	simm.s32 $0x0;
	s15 =	sadd.s32 s7, s0  }
0xe: {  	s7 =	sadd.s32 s21, s0;
	s0 =	sadd.s32 s6, s0;
	s6 =	sor.u32 $0x1C01, s24  }
0xf: {  	[dreg:$0x6] =	wrdreg s26;
	s24 =	simm.s32 $0x880;
	s26 =	simm.s32 $0x180  }
0x10: {  	s7 =	sadd.s32 $0x8C000, s7;
	s0 =	sadd.s32 $0xB3800, s0;
	s17 =	sadd.s32 $0x1800, s15  }
0x11: {  	s18 =	sadd.s32 $0xB800, s15;
	[dreg:$0x4] =	wrdreg s7;
	s7 =	sadd.s32 s25, s5  }
0x12: {  	[dreg:$0x5] =	wrdreg s0;
	s5 =	sshrl.u32 s19, $0x3;
	s25 =	simm.s32 $0x100  }
0x13: {  	s8 =	sadd.s32 $0x80, s7;
	s9 =	sadd.s32 $0x100, s7;
	s10 =	sadd.s32 $0x180, s7  }
0x14: {  	s11 =	sadd.s32 $0x200, s7;
	s12 =	sadd.s32 $0x280, s7;
	s13 =	sadd.s32 $0x300, s7  }
0x15: {  	s14 =	sadd.s32 $0x380, s7;
	s21 =	sshrl.u32 s7, $0x3;
	[dreg:$0x7] =	wrdreg s5  }
.LBB2_1:
0x16: {  	s0 =	rddreg [dreg:$0x4]  }
0x17: {  	[spmem:s5], [sflag:s6] =	dma.local [hbm:s0], $0x2780  }
0x18: {  	_ =	swait.ge [sflag:s20], $0x2780  }
0x19: {  	[sflag:s20] =	ssyncset.done $0x0  }
0x1a: {  	[sflag:s20] =	ssyncadd.s32 $0xFFFFD880  }
0x1b: {  	s16 =	sadd.s32 $0x0, s18;
	[bflag:$0x0] =	sbarrier.arrive $0xFFFF  }
0x1c: {  	[tilespmem:s3], [sflag:$0x1] =	stream.linear.gather [hbm4b:s16+s3], $0x400, $0x38;
	[tilespmem:$0x18480] =	vst v63  }
0x1d: {  	_ =	swait.ge [sflag:s20], $0x400  }
0x1e: {  	[sflag:s20] =	ssyncset.done $0x0  }
0x1f: {  	s19 =	sadd.s32 $0x0, s17;
	[sflag:s20] =	ssyncadd.s32 $0xFFFFFC00  }
0x20: {  	[spmem:s21], [sflag:s6] =	dma.local [hbm:s19], $0x80  }
0x21: {  	_ =	swait.ge [sflag:s20], $0x80  }
0x22: {  	[sflag:s20] =	ssyncset.done $0x0  }
0x23: {  	[sflag:s20] =	ssyncadd.s32 $0xFFFFFF80  }
0x24: {  	[tilespmem:s22], [sflag:$0x1] =	stream.linear.gather [spmem:s7], $0x80, $0x38;
	[tilespmem:$0x18480] =	vst v63  }
0x25: {  	_ =	swait.ge [sflag:s20], $0x80  }
0x26: {  	[sflag:s20] =	ssyncset.done $0x0  }
0x27: {  	[sflag:s20] =	ssyncadd.s32 $0xFFFFFF80  }
0x28: {  	[tilespmem:s24], [sflag:$0x1] =	stream.indirect.gather [hbm4b:s4+s23], $0x80, s3, s23, $0xb8;
	[tilespmem:$0x18480] =	vst v63  }
0x29: {  	_ =	swait.ge [sflag:s20], $0x4000  }
0x2a: {  	[sflag:s20] =	ssyncset.done $0x0  }
0x2b: {  	[sflag:s20] =	ssyncadd.s32 $0xFFFFC000  }
0x2c: {  	[spmem:s2] =	stream.indirect.scatter.add.f32 [tilespmem:s24], [sflag:$0x1], $0x80, s22, s23, $0xb8;
	[tilespmem:$0x18480] =	vst v63  }
0x2d: {  	_ =	swait.ge [sflag:s20], $0x4000  }
0x2e: {  	[sflag:s20] =	ssyncset.done $0x0  }
0x2f: {  	[sflag:s20] =	ssyncadd.s32 $0xFFFFC000  }
0x30: {  	[tilespmem:s22], [sflag:$0x1] =	stream.linear.gather [spmem:s8], $0x80, $0x38;
	[tilespmem:$0x18480] =	vst v63  }
0x31: {  	_ =	swait.ge [sflag:s20], $0x80  }
0x32: {  	[sflag:s20] =	ssyncset.done $0x0  }
0x33: {  	[sflag:s20] =	ssyncadd.s32 $0xFFFFFF80  }
0x34: {  	[tilespmem:s24], [sflag:$0x1] =	stream.indirect.gather [hbm4b:s4+s23], $0x80, s23, s23, $0xb8;
	[tilespmem:$0x18480] =	vst v63  }
0x35: {  	_ =	swait.ge [sflag:s20], $0x4000  }
0x36: {  	[sflag:s20] =	ssyncset.done $0x0  }
0x37: {  	[sflag:s20] =	ssyncadd.s32 $0xFFFFC000  }
0x38: {  	[spmem:s2] =	stream.indirect.scatter.add.f32 [tilespmem:s24], [sflag:$0x1], $0x80, s22, s23, $0xb8;
	[tilespmem:$0x18480] =	vst v63  }
0x39: {  	_ =	swait.ge [sflag:s20], $0x4000  }
0x3a: {  	[sflag:s20] =	ssyncset.done $0x0  }
0x3b: {  	[sflag:s20] =	ssyncadd.s32 $0xFFFFC000  }
0x3c: {  	[tilespmem:s22], [sflag:$0x1] =	stream.linear.gather [spmem:s9], $0x80, $0x38;
	[tilespmem:$0x18480] =	vst v63  }
0x3d: {  	_ =	swait.ge [sflag:s20], $0x80  }
0x3e: {  	[sflag:s20] =	ssyncset.done $0x0  }
0x3f: {  	[sflag:s20] =	ssyncadd.s32 $0xFFFFFF80  }
0x40: {  	[tilespmem:s24], [sflag:$0x1] =	stream.indirect.gather [hbm4b:s4+s23], $0x80, s25, s23, $0xb8;
	[tilespmem:$0x18480] =	vst v63  }
0x41: {  	_ =	swait.ge [sflag:s20], $0x4000  }
0x42: {  	[sflag:s20] =	ssyncset.done $0x0  }
0x43: {  	[sflag:s20] =	ssyncadd.s32 $0xFFFFC000  }
0x44: {  	[spmem:s2] =	stream.indirect.scatter.add.f32 [tilespmem:s24], [sflag:$0x1], $0x80, s22, s23, $0xb8;
	[tilespmem:$0x18480] =	vst v63  }
0x45: {  	_ =	swait.ge [sflag:s20], $0x4000  }
0x46: {  	[sflag:s20] =	ssyncset.done $0x0  }
0x47: {  	[sflag:s20] =	ssyncadd.s32 $0xFFFFC000  }
0x48: {  	[tilespmem:s22], [sflag:$0x1] =	stream.linear.gather [spmem:s10], $0x80, $0x38;
	[tilespmem:$0x18480] =	vst v63  }
0x49: {  	_ =	swait.ge [sflag:s20], $0x80  }
0x4a: {  	[sflag:s20] =	ssyncset.done $0x0  }
0x4b: {  	[sflag:s20] =	ssyncadd.s32 $0xFFFFFF80  }
0x4c: {  	[tilespmem:s24], [sflag:$0x1] =	stream.indirect.gather [hbm4b:s4+s23], $0x80, s26, s23, $0xb8;
	[tilespmem:$0x18480] =	vst v63  }
0x4d: {  	_ =	swait.ge [sflag:s20], $0x4000  }
0x4e: {  	[sflag:s20] =	ssyncset.done $0x0  }
0x4f: {  	[sflag:s20] =	ssyncadd.s32 $0xFFFFC000  }
0x50: {  	[spmem:s2] =	stream.indirect.scatter.add.f32 [tilespmem:s24], [sflag:$0x1], $0x80, s22, s23, $0xb8;
	[tilespmem:$0x18480] =	vst v63  }
0x51: {  	_ =	swait.ge [sflag:s20], $0x4000  }
0x52: {  	[sflag:s20] =	ssyncset.done $0x0  }
0x53: {  	[sflag:s20] =	ssyncadd.s32 $0xFFFFC000  }
0x54: {  	[tilespmem:s22], [sflag:$0x1] =	stream.linear.gather [spmem:s11], $0x80, $0x38;
	[tilespmem:$0x18480] =	vst v63  }
0x55: {  	_ =	swait.ge [sflag:s20], $0x80  }
0x56: {  	[sflag:s20] =	ssyncset.done $0x0  }
0x57: {  	[sflag:s20] =	ssyncadd.s32 $0xFFFFFF80  }
0x58: {  	[tilespmem:s24], [sflag:$0x1] =	stream.indirect.gather [hbm4b:s4+s23], $0x80, s28, s23, $0xb8;
	[tilespmem:$0x18480] =	vst v63  }
0x59: {  	_ =	swait.ge [sflag:s20], $0x4000  }
0x5a: {  	[sflag:s20] =	ssyncset.done $0x0  }
0x5b: {  	[sflag:s20] =	ssyncadd.s32 $0xFFFFC000  }
0x5c: {  	[spmem:s2] =	stream.indirect.scatter.add.f32 [tilespmem:s24], [sflag:$0x1], $0x80, s22, s23, $0xb8;
	[tilespmem:$0x18480] =	vst v63  }
0x5d: {  	_ =	swait.ge [sflag:s20], $0x4000  }
0x5e: {  	[sflag:s20] =	ssyncset.done $0x0  }
0x5f: {  	[sflag:s20] =	ssyncadd.s32 $0xFFFFC000  }
0x60: {  	[tilespmem:s22], [sflag:$0x1] =	stream.linear.gather [spmem:s12], $0x80, $0x38;
	[tilespmem:$0x18480] =	vst v63  }
0x61: {  	_ =	swait.ge [sflag:s20], $0x80  }
0x62: {  	[sflag:s20] =	ssyncset.done $0x0  }
0x63: {  	[sflag:s20] =	ssyncadd.s32 $0xFFFFFF80  }
0x64: {  	[tilespmem:s24], [sflag:$0x1] =	stream.indirect.gather [hbm4b:s4+s23], $0x80, s29, s23, $0xb8;
	[tilespmem:$0x18480] =	vst v63  }
0x65: {  	_ =	swait.ge [sflag:s20], $0x4000  }
0x66: {  	[sflag:s20] =	ssyncset.done $0x0  }
0x67: {  	[sflag:s20] =	ssyncadd.s32 $0xFFFFC000  }
0x68: {  	[spmem:s2] =	stream.indirect.scatter.add.f32 [tilespmem:s24], [sflag:$0x1], $0x80, s22, s23, $0xb8;
	[tilespmem:$0x18480] =	vst v63  }
0x69: {  	_ =	swait.ge [sflag:s20], $0x4000  }
0x6a: {  	[sflag:s20] =	ssyncset.done $0x0  }
0x6b: {  	[sflag:s20] =	ssyncadd.s32 $0xFFFFC000  }
0x6c: {  	[tilespmem:s22], [sflag:$0x1] =	stream.linear.gather [spmem:s13], $0x80, $0x38;
	[tilespmem:$0x18480] =	vst v63  }
0x6d: {  	_ =	swait.ge [sflag:s20], $0x80  }
0x6e: {  	[sflag:s20] =	ssyncset.done $0x0  }
0x6f: {  	[sflag:s20] =	ssyncadd.s32 $0xFFFFFF80  }
0x70: {  	[tilespmem:s24], [sflag:$0x1] =	stream.indirect.gather [hbm4b:s4+s23], $0x80, s30, s23, $0xb8;
	[tilespmem:$0x18480] =	vst v63  }
0x71: {  	_ =	swait.ge [sflag:s20], $0x4000  }
0x72: {  	[sflag:s20] =	ssyncset.done $0x0  }
0x73: {  	[sflag:s20] =	ssyncadd.s32 $0xFFFFC000  }
0x74: {  	[spmem:s2] =	stream.indirect.scatter.add.f32 [tilespmem:s24], [sflag:$0x1], $0x80, s22, s23, $0xb8;
	[tilespmem:$0x18480] =	vst v63  }
0x75: {  	_ =	swait.ge [sflag:s20], $0x4000  }
0x76: {  	[sflag:s20] =	ssyncset.done $0x0  }
0x77: {  	[sflag:s20] =	ssyncadd.s32 $0xFFFFC000  }
0x78: {  	[tilespmem:s22], [sflag:$0x1] =	stream.linear.gather [spmem:s14], $0x80, $0x38;
	[tilespmem:$0x18480] =	vst v63  }
0x79: {  	_ =	swait.ge [sflag:s20], $0x80  }
0x7a: {  	[sflag:s20] =	ssyncset.done $0x0  }
0x7b: {  	[sflag:s20] =	ssyncadd.s32 $0xFFFFFF80  }
0x7c: {  	[tilespmem:s24], [sflag:$0x1] =	stream.indirect.gather [hbm4b:s4+s23], $0x80, s31, s23, $0xb8;
	[tilespmem:$0x18480] =	vst v63  }
0x7d: {  	_ =	swait.ge [sflag:s20], $0x4000  }
0x7e: {  	[sflag:s20] =	ssyncset.done $0x0  }
0x7f: {  	[sflag:s20] =	ssyncadd.s32 $0xFFFFC000  }
0x80: {  	[spmem:s2] =	stream.indirect.scatter.add.f32 [tilespmem:s24], [sflag:$0x1], $0x80, s22, s23, $0xb8;
	[tilespmem:$0x18480] =	vst v63  }
0x81: {  	_ =	swait.ge [sflag:s20], $0x4000  }
0x82: {  	s0 =	simm.s32 $0x80;
	s5 =	simm.s32 $0x100;
	[sflag:s20] =	ssyncset.done $0x0  }
.LBB2_2:
0x83: {  	s16 =	sadd.s32 s0, s18  }
0x84: {  	[sflag:s20] =	ssyncadd.s32 $0xFFFFC000;
	s19 =	smov.u32 s5;
	s15 =	sadd.s32 $0x80, s5  }
0x85: {  	[tilespmem:s3], [sflag:$0x1] =	stream.linear.gather [hbm4b:s16+s3], $0x400, $0x38;
	[tilespmem:$0x18480] =	vst v63  }
0x86: {  	p0 =	sne.s32 s5, $0x480;
	_ =	swait.ge [sflag:s20], $0x400  }
0x87: {  	[sflag:s20] =	ssyncset.done $0x0  }
0x88: {  	s5 =	sadd.s32 s0, s17;
	s0 =	smov.u32 s19;
	[sflag:s20] =	ssyncadd.s32 $0xFFFFFC00  }
0x89: {  	[spmem:s21], [sflag:s6] =	dma.local [hbm:s5], $0x80  }
0x8a: {  	_ =	swait.ge [sflag:s20], $0x80  }
0x8b: {  	[sflag:s20] =	ssyncset.done $0x0  }
0x8c: {  	[sflag:s20] =	ssyncadd.s32 $0xFFFFFF80  }
0x8d: {  	[tilespmem:s22], [sflag:$0x1] =	stream.linear.gather [spmem:s7], $0x80, $0x38;
	[tilespmem:$0x18480] =	vst v63  }
0x8e: {  	_ =	swait.ge [sflag:s20], $0x80  }
0x8f: {  	[sflag:s20] =	ssyncset.done $0x0  }
0x90: {  	[sflag:s20] =	ssyncadd.s32 $0xFFFFFF80  }
0x91: {  	[tilespmem:s24], [sflag:$0x1] =	stream.indirect.gather [hbm4b:s4+s23], $0x80, s3, s23, $0xb8;
	[tilespmem:$0x18480] =	vst v63  }
0x92: {  	_ =	swait.ge [sflag:s20], $0x4000  }
0x93: {  	[sflag:s20] =	ssyncset.done $0x0  }
0x94: {  	[sflag:s20] =	ssyncadd.s32 $0xFFFFC000  }
0x95: {  	[spmem:s2] =	stream.indirect.scatter.add.f32 [tilespmem:s24], [sflag:$0x1], $0x80, s22, s23, $0xb8;
	[tilespmem:$0x18480] =	vst v63  }
0x96: {  	_ =	swait.ge [sflag:s20], $0x4000  }
0x97: {  	[sflag:s20] =	ssyncset.done $0x0  }
0x98: {  	[sflag:s20] =	ssyncadd.s32 $0xFFFFC000  }
0x99: {  	[tilespmem:s22], [sflag:$0x1] =	stream.linear.gather [spmem:s8], $0x80, $0x38;
	[tilespmem:$0x18480] =	vst v63  }
0x9a: {  	_ =	swait.ge [sflag:s20], $0x80  }
0x9b: {  	[sflag:s20] =	ssyncset.done $0x0  }
0x9c: {  	[sflag:s20] =	ssyncadd.s32 $0xFFFFFF80  }
0x9d: {  	[tilespmem:s24], [sflag:$0x1] =	stream.indirect.gather [hbm4b:s4+s23], $0x80, s23, s23, $0xb8;
	[tilespmem:$0x18480] =	vst v63  }
0x9e: {  	_ =	swait.ge [sflag:s20], $0x4000  }
0x9f: {  	[sflag:s20] =	ssyncset.done $0x0  }
0xa0: {  	[sflag:s20] =	ssyncadd.s32 $0xFFFFC000  }
0xa1: {  	[spmem:s2] =	stream.indirect.scatter.add.f32 [tilespmem:s24], [sflag:$0x1], $0x80, s22, s23, $0xb8;
	[tilespmem:$0x18480] =	vst v63  }
0xa2: {  	_ =	swait.ge [sflag:s20], $0x4000  }
0xa3: {  	[sflag:s20] =	ssyncset.done $0x0  }
0xa4: {  	[sflag:s20] =	ssyncadd.s32 $0xFFFFC000  }
0xa5: {  	[tilespmem:s22], [sflag:$0x1] =	stream.linear.gather [spmem:s9], $0x80, $0x38;
	[tilespmem:$0x18480] =	vst v63  }
0xa6: {  	_ =	swait.ge [sflag:s20], $0x80  }
0xa7: {  	[sflag:s20] =	ssyncset.done $0x0  }
0xa8: {  	[sflag:s20] =	ssyncadd.s32 $0xFFFFFF80  }
0xa9: {  	[tilespmem:s24], [sflag:$0x1] =	stream.indirect.gather [hbm4b:s4+s23], $0x80, s25, s23, $0xb8;
	[tilespmem:$0x18480] =	vst v63  }
0xaa: {  	_ =	swait.ge [sflag:s20], $0x4000  }
0xab: {  	[sflag:s20] =	ssyncset.done $0x0  }
0xac: {  	[sflag:s20] =	ssyncadd.s32 $0xFFFFC000  }
0xad: {  	[spmem:s2] =	stream.indirect.scatter.add.f32 [tilespmem:s24], [sflag:$0x1], $0x80, s22, s23, $0xb8;
	[tilespmem:$0x18480] =	vst v63  }
0xae: {  	_ =	swait.ge [sflag:s20], $0x4000  }
0xaf: {  	[sflag:s20] =	ssyncset.done $0x0  }
0xb0: {  	[sflag:s20] =	ssyncadd.s32 $0xFFFFC000  }
0xb1: {  	[tilespmem:s22], [sflag:$0x1] =	stream.linear.gather [spmem:s10], $0x80, $0x38;
	[tilespmem:$0x18480] =	vst v63  }
0xb2: {  	_ =	swait.ge [sflag:s20], $0x80  }
0xb3: {  	[sflag:s20] =	ssyncset.done $0x0  }
0xb4: {  	[sflag:s20] =	ssyncadd.s32 $0xFFFFFF80  }
0xb5: {  	[tilespmem:s24], [sflag:$0x1] =	stream.indirect.gather [hbm4b:s4+s23], $0x80, s26, s23, $0xb8;
	[tilespmem:$0x18480] =	vst v63  }
0xb6: {  	_ =	swait.ge [sflag:s20], $0x4000  }
0xb7: {  	[sflag:s20] =	ssyncset.done $0x0  }
0xb8: {  	[sflag:s20] =	ssyncadd.s32 $0xFFFFC000  }
0xb9: {  	[spmem:s2] =	stream.indirect.scatter.add.f32 [tilespmem:s24], [sflag:$0x1], $0x80, s22, s23, $0xb8;
	[tilespmem:$0x18480] =	vst v63  }
0xba: {  	_ =	swait.ge [sflag:s20], $0x4000  }
0xbb: {  	[sflag:s20] =	ssyncset.done $0x0  }
0xbc: {  	[sflag:s20] =	ssyncadd.s32 $0xFFFFC000  }
0xbd: {  	[tilespmem:s22], [sflag:$0x1] =	stream.linear.gather [spmem:s11], $0x80, $0x38;
	[tilespmem:$0x18480] =	vst v63  }
0xbe: {  	_ =	swait.ge [sflag:s20], $0x80  }
0xbf: {  	[sflag:s20] =	ssyncset.done $0x0  }
0xc0: {  	[sflag:s20] =	ssyncadd.s32 $0xFFFFFF80  }
0xc1: {  	[tilespmem:s24], [sflag:$0x1] =	stream.indirect.gather [hbm4b:s4+s23], $0x80, s28, s23, $0xb8;
	[tilespmem:$0x18480] =	vst v63  }
0xc2: {  	_ =	swait.ge [sflag:s20], $0x4000  }
0xc3: {  	[sflag:s20] =	ssyncset.done $0x0  }
0xc4: {  	[sflag:s20] =	ssyncadd.s32 $0xFFFFC000  }
0xc5: {  	[spmem:s2] =	stream.indirect.scatter.add.f32 [tilespmem:s24], [sflag:$0x1], $0x80, s22, s23, $0xb8;
	[tilespmem:$0x18480] =	vst v63  }
0xc6: {  	_ =	swait.ge [sflag:s20], $0x4000  }
0xc7: {  	[sflag:s20] =	ssyncset.done $0x0  }
0xc8: {  	[sflag:s20] =	ssyncadd.s32 $0xFFFFC000  }
0xc9: {  	[tilespmem:s22], [sflag:$0x1] =	stream.linear.gather [spmem:s12], $0x80, $0x38;
	[tilespmem:$0x18480] =	vst v63  }
0xca: {  	_ =	swait.ge [sflag:s20], $0x80  }
0xcb: {  	[sflag:s20] =	ssyncset.done $0x0  }
0xcc: {  	[sflag:s20] =	ssyncadd.s32 $0xFFFFFF80  }
0xcd: {  	[tilespmem:s24], [sflag:$0x1] =	stream.indirect.gather [hbm4b:s4+s23], $0x80, s29, s23, $0xb8;
	[tilespmem:$0x18480] =	vst v63  }
0xce: {  	_ =	swait.ge [sflag:s20], $0x4000  }
0xcf: {  	[sflag:s20] =	ssyncset.done $0x0  }
0xd0: {  	[sflag:s20] =	ssyncadd.s32 $0xFFFFC000  }
0xd1: {  	[spmem:s2] =	stream.indirect.scatter.add.f32 [tilespmem:s24], [sflag:$0x1], $0x80, s22, s23, $0xb8;
	[tilespmem:$0x18480] =	vst v63  }
0xd2: {  	_ =	swait.ge [sflag:s20], $0x4000  }
0xd3: {  	[sflag:s20] =	ssyncset.done $0x0  }
0xd4: {  	[sflag:s20] =	ssyncadd.s32 $0xFFFFC000  }
0xd5: {  	[tilespmem:s22], [sflag:$0x1] =	stream.linear.gather [spmem:s13], $0x80, $0x38;
	[tilespmem:$0x18480] =	vst v63  }
0xd6: {  	_ =	swait.ge [sflag:s20], $0x80  }
0xd7: {  	[sflag:s20] =	ssyncset.done $0x0  }
0xd8: {  	[sflag:s20] =	ssyncadd.s32 $0xFFFFFF80  }
0xd9: {  	[tilespmem:s24], [sflag:$0x1] =	stream.indirect.gather [hbm4b:s4+s23], $0x80, s30, s23, $0xb8;
	[tilespmem:$0x18480] =	vst v63  }
0xda: {  	_ =	swait.ge [sflag:s20], $0x4000  }
0xdb: {  	[sflag:s20] =	ssyncset.done $0x0  }
0xdc: {  	[sflag:s20] =	ssyncadd.s32 $0xFFFFC000  }
0xdd: {  	[spmem:s2] =	stream.indirect.scatter.add.f32 [tilespmem:s24], [sflag:$0x1], $0x80, s22, s23, $0xb8;
	[tilespmem:$0x18480] =	vst v63  }
0xde: {  	_ =	swait.ge [sflag:s20], $0x4000  }
0xdf: {  	[sflag:s20] =	ssyncset.done $0x0  }
0xe0: {  	[sflag:s20] =	ssyncadd.s32 $0xFFFFC000  }
0xe1: {  	[tilespmem:s22], [sflag:$0x1] =	stream.linear.gather [spmem:s14], $0x80, $0x38;
	[tilespmem:$0x18480] =	vst v63  }
0xe2: {  	_ =	swait.ge [sflag:s20], $0x80  }
0xe3: {  	[sflag:s20] =	ssyncset.done $0x0  }
0xe4: {  	[sflag:s20] =	ssyncadd.s32 $0xFFFFFF80  }
0xe5: {  	[tilespmem:s24], [sflag:$0x1] =	stream.indirect.gather [hbm4b:s4+s23], $0x80, s31, s23, $0xb8;
	[tilespmem:$0x18480] =	vst v63  }
0xe6: {  	_ =	swait.ge [sflag:s20], $0x4000  }
.Ltmp0:
0xe7: {  	[sflag:s20] =	ssyncset.done $0x0;
	(pc) =	sbr.rel @p0 .LBB2_2-.Ltmp0, $4  }
0xe8: {  	[sflag:s20] =	ssyncadd.s32 $0xFFFFC000  }
0xe9: {  	[spmem:s2] =	stream.indirect.scatter.add.f32 [tilespmem:s24], [sflag:$0x1], $0x80, s22, s23, $0xb8;
	[tilespmem:$0x18480] =	vst v63  }
0xea: {  	_ =	swait.ge [sflag:s20], $0x4000  }
0xeb: {  	s5 =	smov.u32 s15;
	[sflag:s20] =	ssyncset.done $0x0  }
0xec: {  	s5 =	sadd.s32 s0, s18;
	[sflag:s20] =	ssyncadd.s32 $0xFFFFC000  }
0xed: {  	[tilespmem:s3], [sflag:$0x1] =	stream.linear.gather [hbm4b:s5+s3], $0x400, $0x38;
	[tilespmem:$0x18480] =	vst v63  }
0xee: {  	_ =	swait.ge [sflag:s20], $0x400  }
0xef: {  	[sflag:s20] =	ssyncset.done $0x0  }
0xf0: {  	s15 =	sadd.s32 s0, s17;
	[sflag:s20] =	ssyncadd.s32 $0xFFFFFC00  }
0xf1: {  	[spmem:s21], [sflag:s6] =	dma.local [hbm:s15], $0x80  }
0xf2: {  	_ =	swait.ge [sflag:s20], $0x80  }
0xf3: {  	[sflag:s20] =	ssyncset.done $0x0  }
0xf4: {  	[sflag:s20] =	ssyncadd.s32 $0xFFFFFF80  }
0xf5: {  	[tilespmem:s22], [sflag:$0x1] =	stream.linear.gather [spmem:s7], $0x80, $0x38;
	[tilespmem:$0x18480] =	vst v63  }
0xf6: {  	_ =	swait.ge [sflag:s20], $0x80  }
0xf7: {  	[sflag:s20] =	ssyncset.done $0x0  }
0xf8: {  	[sflag:s20] =	ssyncadd.s32 $0xFFFFFF80  }
0xf9: {  	[tilespmem:s24], [sflag:$0x1] =	stream.indirect.gather [hbm4b:s4+s23], $0x80, s3, s23, $0xb8;
	[tilespmem:$0x18480] =	vst v63  }
0xfa: {  	_ =	swait.ge [sflag:s20], $0x4000  }
0xfb: {  	[sflag:s20] =	ssyncset.done $0x0  }
0xfc: {  	[sflag:s20] =	ssyncadd.s32 $0xFFFFC000  }
0xfd: {  	[spmem:s2] =	stream.indirect.scatter.add.f32 [tilespmem:s24], [sflag:$0x1], $0x80, s22, s23, $0xb8;
	[tilespmem:$0x18480] =	vst v63  }
0xfe: {  	_ =	swait.ge [sflag:s20], $0x4000  }
0xff: {  	[sflag:s20] =	ssyncset.done $0x0  }
0x100: {  	[sflag:s20] =	ssyncadd.s32 $0xFFFFC000  }
0x101: {  	[tilespmem:s22], [sflag:$0x1] =	stream.linear.gather [spmem:s8], $0x80, $0x38;
	[tilespmem:$0x18480] =	vst v63  }
0x102: {  	_ =	swait.ge [sflag:s20], $0x80  }
0x103: {  	[sflag:s20] =	ssyncset.done $0x0  }
0x104: {  	[sflag:s20] =	ssyncadd.s32 $0xFFFFFF80  }
0x105: {  	[tilespmem:s24], [sflag:$0x1] =	stream.indirect.gather [hbm4b:s4+s23], $0x80, s23, s23, $0xb8;
	[tilespmem:$0x18480] =	vst v63  }
0x106: {  	_ =	swait.ge [sflag:s20], $0x4000  }
0x107: {  	[sflag:s20] =	ssyncset.done $0x0  }
0x108: {  	[sflag:s20] =	ssyncadd.s32 $0xFFFFC000  }
0x109: {  	[spmem:s2] =	stream.indirect.scatter.add.f32 [tilespmem:s24], [sflag:$0x1], $0x80, s22, s23, $0xb8;
	[tilespmem:$0x18480] =	vst v63  }
0x10a: {  	_ =	swait.ge [sflag:s20], $0x4000  }
0x10b: {  	[sflag:s20] =	ssyncset.done $0x0  }
0x10c: {  	[sflag:s20] =	ssyncadd.s32 $0xFFFFC000  }
0x10d: {  	[tilespmem:s22], [sflag:$0x1] =	stream.linear.gather [spmem:s9], $0x80, $0x38;
	[tilespmem:$0x18480] =	vst v63  }
0x10e: {  	_ =	swait.ge [sflag:s20], $0x80  }
0x10f: {  	[sflag:s20] =	ssyncset.done $0x0  }
0x110: {  	[sflag:s20] =	ssyncadd.s32 $0xFFFFFF80  }
0x111: {  	[tilespmem:s24], [sflag:$0x1] =	stream.indirect.gather [hbm4b:s4+s23], $0x80, s25, s23, $0xb8;
	[tilespmem:$0x18480] =	vst v63  }
0x112: {  	_ =	swait.ge [sflag:s20], $0x4000  }
0x113: {  	[sflag:s20] =	ssyncset.done $0x0  }
0x114: {  	[sflag:s20] =	ssyncadd.s32 $0xFFFFC000  }
0x115: {  	[spmem:s2] =	stream.indirect.scatter.add.f32 [tilespmem:s24], [sflag:$0x1], $0x80, s22, s23, $0xb8;
	[tilespmem:$0x18480] =	vst v63  }
0x116: {  	_ =	swait.ge [sflag:s20], $0x4000  }
0x117: {  	[sflag:s20] =	ssyncset.done $0x0  }
0x118: {  	[sflag:s20] =	ssyncadd.s32 $0xFFFFC000  }
0x119: {  	[tilespmem:s22], [sflag:$0x1] =	stream.linear.gather [spmem:s10], $0x80, $0x38;
	[tilespmem:$0x18480] =	vst v63  }
0x11a: {  	_ =	swait.ge [sflag:s20], $0x80  }
0x11b: {  	[sflag:s20] =	ssyncset.done $0x0  }
0x11c: {  	[sflag:s20] =	ssyncadd.s32 $0xFFFFFF80  }
0x11d: {  	[tilespmem:s24], [sflag:$0x1] =	stream.indirect.gather [hbm4b:s4+s23], $0x80, s26, s23, $0xb8;
	[tilespmem:$0x18480] =	vst v63  }
0x11e: {  	_ =	swait.ge [sflag:s20], $0x4000  }
0x11f: {  	[sflag:s20] =	ssyncset.done $0x0  }
0x120: {  	[sflag:s20] =	ssyncadd.s32 $0xFFFFC000  }
0x121: {  	[spmem:s2] =	stream.indirect.scatter.add.f32 [tilespmem:s24], [sflag:$0x1], $0x80, s22, s23, $0xb8;
	[tilespmem:$0x18480] =	vst v63  }
0x122: {  	_ =	swait.ge [sflag:s20], $0x4000  }
0x123: {  	[sflag:s20] =	ssyncset.done $0x0  }
0x124: {  	[sflag:s20] =	ssyncadd.s32 $0xFFFFC000  }
0x125: {  	[tilespmem:s22], [sflag:$0x1] =	stream.linear.gather [spmem:s11], $0x80, $0x38;
	[tilespmem:$0x18480] =	vst v63  }
0x126: {  	_ =	swait.ge [sflag:s20], $0x80  }
0x127: {  	[sflag:s20] =	ssyncset.done $0x0  }
0x128: {  	[sflag:s20] =	ssyncadd.s32 $0xFFFFFF80  }
0x129: {  	[tilespmem:s24], [sflag:$0x1] =	stream.indirect.gather [hbm4b:s4+s23], $0x80, s28, s23, $0xb8;
	[tilespmem:$0x18480] =	vst v63  }
0x12a: {  	_ =	swait.ge [sflag:s20], $0x4000  }
0x12b: {  	[sflag:s20] =	ssyncset.done $0x0  }
0x12c: {  	[sflag:s20] =	ssyncadd.s32 $0xFFFFC000  }
0x12d: {  	[spmem:s2] =	stream.indirect.scatter.add.f32 [tilespmem:s24], [sflag:$0x1], $0x80, s22, s23, $0xb8;
	[tilespmem:$0x18480] =	vst v63  }
0x12e: {  	_ =	swait.ge [sflag:s20], $0x4000  }
0x12f: {  	[sflag:s20] =	ssyncset.done $0x0  }
0x130: {  	[sflag:s20] =	ssyncadd.s32 $0xFFFFC000  }
0x131: {  	[tilespmem:s22], [sflag:$0x1] =	stream.linear.gather [spmem:s12], $0x80, $0x38;
	[tilespmem:$0x18480] =	vst v63  }
0x132: {  	_ =	swait.ge [sflag:s20], $0x80  }
0x133: {  	[sflag:s20] =	ssyncset.done $0x0  }
0x134: {  	[sflag:s20] =	ssyncadd.s32 $0xFFFFFF80  }
0x135: {  	[tilespmem:s24], [sflag:$0x1] =	stream.indirect.gather [hbm4b:s4+s23], $0x80, s29, s23, $0xb8;
	[tilespmem:$0x18480] =	vst v63  }
0x136: {  	_ =	swait.ge [sflag:s20], $0x4000  }
0x137: {  	[sflag:s20] =	ssyncset.done $0x0  }
0x138: {  	[sflag:s20] =	ssyncadd.s32 $0xFFFFC000  }
0x139: {  	[spmem:s2] =	stream.indirect.scatter.add.f32 [tilespmem:s24], [sflag:$0x1], $0x80, s22, s23, $0xb8;
	[tilespmem:$0x18480] =	vst v63  }
0x13a: {  	_ =	swait.ge [sflag:s20], $0x4000  }
0x13b: {  	[sflag:s20] =	ssyncset.done $0x0  }
0x13c: {  	[sflag:s20] =	ssyncadd.s32 $0xFFFFC000  }
0x13d: {  	[tilespmem:s22], [sflag:$0x1] =	stream.linear.gather [spmem:s13], $0x80, $0x38;
	[tilespmem:$0x18480] =	vst v63  }
0x13e: {  	_ =	swait.ge [sflag:s20], $0x80  }
0x13f: {  	[sflag:s20] =	ssyncset.done $0x0  }
0x140: {  	[sflag:s20] =	ssyncadd.s32 $0xFFFFFF80  }
0x141: {  	[tilespmem:s24], [sflag:$0x1] =	stream.indirect.gather [hbm4b:s4+s23], $0x80, s30, s23, $0xb8;
	[tilespmem:$0x18480] =	vst v63  }
0x142: {  	_ =	swait.ge [sflag:s20], $0x4000  }
0x143: {  	[sflag:s20] =	ssyncset.done $0x0  }
0x144: {  	[sflag:s20] =	ssyncadd.s32 $0xFFFFC000  }
0x145: {  	[spmem:s2] =	stream.indirect.scatter.add.f32 [tilespmem:s24], [sflag:$0x1], $0x80, s22, s23, $0xb8;
	[tilespmem:$0x18480] =	vst v63  }
0x146: {  	_ =	swait.ge [sflag:s20], $0x4000  }
0x147: {  	[sflag:s20] =	ssyncset.done $0x0  }
0x148: {  	[sflag:s20] =	ssyncadd.s32 $0xFFFFC000  }
0x149: {  	[tilespmem:s22], [sflag:$0x1] =	stream.linear.gather [spmem:s14], $0x80, $0x38;
	[tilespmem:$0x18480] =	vst v63  }
0x14a: {  	_ =	swait.ge [sflag:s20], $0x80  }
0x14b: {  	[sflag:s20] =	ssyncset.done $0x0  }
0x14c: {  	[sflag:s20] =	ssyncadd.s32 $0xFFFFFF80  }
0x14d: {  	[tilespmem:s24], [sflag:$0x1] =	stream.indirect.gather [hbm4b:s4+s23], $0x80, s31, s23, $0xb8;
	[tilespmem:$0x18480] =	vst v63  }
0x14e: {  	_ =	swait.ge [sflag:s20], $0x4000  }
0x14f: {  	[sflag:s20] =	ssyncset.done $0x0  }
0x150: {  	[sflag:s20] =	ssyncadd.s32 $0xFFFFC000  }
0x151: {  	[spmem:s2] =	stream.indirect.scatter.add.f32 [tilespmem:s24], [sflag:$0x1], $0x80, s22, s23, $0xb8;
	[tilespmem:$0x18480] =	vst v63  }
0x152: {  	_ =	swait.ge [sflag:s20], $0x4000  }
0x153: {  	[sflag:s20] =	ssyncset.done $0x0  }
0x154: {  	[sflag:s20] =	ssyncadd.s32 $0xFFFFC000  }
0x155: {  	[bflag:$0x0] =	sbarrier.arrive $0xFFFF  }
0x156: {  	s16 =	rddreg [dreg:$0x5]  }
0x157: {  	s5 =	rddreg [dreg:$0x7]  }
0x158: {  	[hbm:s16], [sflag:s6] =	dma.local [spmem:s5], $0x2780  }
0x159: {  	_ =	swait.ge [sflag:s20], $0x2780  }
0x15a: {  	s1 =	sadd.s32 $0x1, s1;
	s19 =	rddreg [dreg:$0x6]  }
0x15b: {  	p0 =	sne.s32 s1, s19  }
.Ltmp1:
0x15c: {  	_ = 	snop;
	(pc) =	sbr.rel @p0 .LBB2_1-.Ltmp1, $3  }
0x15d: {  	_ =	sdelay $0x1  }
0x15e: {  	[sflag:s20] =	ssyncset.done $0x0  }
0x15f: {  	[sflag:s20] =	ssyncadd.s32 $0xFFFFD880  }
0x160: {  	_ =	sfence.sel $0x180000  }
0x161: {  	[bflag:$0x0] =	sbarrier.arrive $0xFFFF  }
0x162: {  	_ =	strace $0x9000004A  }
0x163: {  	s0 =	stileid.u32;
	[bflag:$0x2] =	sbarrier.arrive $0xFFFF  }
0x164: {  	p0 =	sne.s32 s0, $0x0;
	s0 =	rddreg [dreg:$0x3]  }
0x165: {  	s0 =	sadd.s32 @!p0 $0x100000, s0  }
0x166: {  	[sflag:s0] =	ssyncadd.tile.s32 @!p0 $0x1;
	_ =	shalt  }
.Lfunc_end2:
_tile_overlayer_lowered:
.L_overlay_start_2:
0x167: {  	(tag) =	ssettag $0x2  }
0x168: {  	s0 =	rddreg [dreg:$0x0];
	s2 =	stileid.u32  }
0x169: {  	s1 =	rddreg [dreg:$0x1];
	p0 =	sne.s32 s2, $0x0  }
0x16a: {  	s3 =	rddreg [dreg:$0x2];
	[bflag:$0x3] =	sbarrier.arrive $0xFFFF;
	s2 =	simm.s32 @!p0 $0x1C01  }
0x16b: {  	[timem:s3], [sflag:s2] =	dma.local @!p0 [hbm:s0], s1  }
0x16c: {  	s0 =	simm.s32 @!p0 $0x1  }
0x16d: {  	_ =	swait.ge @!p0 [sflag:s0], s1  }
0x16e: {  	s1 =	ssub.s32 @!p0 $0x0, s1;
	[sflag:s0] =	ssyncset.done @!p0 $0x0  }
0x16f: {  	[sflag:s0] =	ssyncadd.s32 @!p0 s1  }
0x170: {  	[bflag:$0x3] =	sbarrier.arrive $0xFFFF  }
0x171: {  	_ =	shalt  }

</sc_bundles>
